<compile_context>
chip_gen: v7x
topology: tpu7x:2x2x1
jax: 0.10.2.dev20260603
libtpu: 0.0.44.dev20260713+nightly
codegen_flags: <defaults>
</compile_context>

<pallas_src>
import functools

import jax
import jax.numpy as jnp
from jax import lax
from jax.experimental import pallas as pl
from jax.experimental.pallas import tpu as pltpu
from jax.experimental.pallas import tpu_sc as plsc

_N = 1_000_000
_C = 100
_B = 2048
_GRID = -(-_N // _B)

_NW = 32
_CHUNK = 31248
_TAIL = _N - (_NW - 1) * _CHUNK
_STEPS = _CHUNK // 16
_TSTEPS = _TAIL // 16
_HB = 128
_HSIZE = 16 * _HB


def _amax_body(yp_ref, yt_ref, out_ref):
    x = yp_ref[...]
    xt = jnp.swapaxes(x, 0, 1)
    ytv = yt_ref[...][None, :]
    idxs = lax.broadcasted_iota(jnp.int32, (_C, _B), 0)
    neg = jnp.float32(-jnp.inf)
    xv = jnp.max(jnp.where(idxs == ytv, xt, neg), axis=0, keepdims=True)
    m = jnp.max(xt, axis=0, keepdims=True)
    correct = xv >= m
    out_ref[...] = jnp.where(correct, ytv, _C).astype(jnp.int32)[0]


def _sc_hist_body(src_hbm, out_hbm, src_v, hist_v):
    wid = lax.axis_index("s") * 2 + lax.axis_index("c")
    base = pl.multiple_of(wid * _CHUNK, 16)

    def _zero(j, _):
        hist_v[pl.ds(j * 16, 16)] = jnp.zeros((16,), jnp.int32)
        return 0

    lax.fori_loop(0, _HSIZE // 16, _zero, 0)

    pltpu.sync_copy(src_hbm.at[pl.ds(base, _CHUNK)], src_v.at[pl.ds(0, _CHUNK)])

    @pl.when(wid == _NW - 1)
    def _tail_copy():
        off = _N - (_TAIL - _CHUNK)
        pltpu.sync_copy(
            src_hbm.at[pl.ds(off, _TAIL - _CHUNK)],
            src_v.at[pl.ds(_CHUNK, _TAIL - _CHUNK)],
        )

    lanes = lax.iota(jnp.int32, 16) * _HB
    ones = jnp.ones((16,), jnp.int32)

    def _step(i, _):
        b = src_v[pl.ds(i * 16, 16)]
        plsc.addupdate_scatter(hist_v, [lanes + b], ones)
        return 0

    lax.fori_loop(0, _STEPS, _step, 0)

    @pl.when(wid == _NW - 1)
    def _tail_steps():
        lax.fori_loop(_STEPS, _TSTEPS, _step, 0)

    pltpu.sync_copy(hist_v, out_hbm.at[wid])


_sc_hist = functools.partial(
    pl.kernel,
    mesh=plsc.VectorSubcoreMesh(core_axis_name="c", subcore_axis_name="s"),
    out_type=jax.ShapeDtypeStruct((_NW, _HSIZE), jnp.int32),
    scratch_types=[
        pltpu.VMEM((_TAIL,), jnp.int32),
        pltpu.VMEM((_HSIZE,), jnp.int32),
    ],
    compiler_params=pltpu.CompilerParams(needs_layout_passes=False),
)


def _fin_body(hp_ref, ht_ref, w_ref, out_ref):
    sp = jnp.sum(hp_ref[...], axis=0, keepdims=True)
    st = jnp.sum(ht_ref[...], axis=0, keepdims=True)
    cp = jnp.zeros((1, _HB), jnp.int32)
    ct = jnp.zeros((1, _HB), jnp.int32)
    for l in range(16):
        cp = cp + sp[0:1, l * _HB : (l + 1) * _HB]
        ct = ct + st[0:1, l * _HB : (l + 1) * _HB]
    ctc = ct[0:1, :_C]
    acc = jnp.where(
        ctc > 0,
        cp[0:1, :_C].astype(jnp.float32) / jnp.maximum(ctc, 1).astype(jnp.float32),
        0.0,
    )
    w = w_ref[...]
    val = jnp.sum(acc * w) / jnp.sum(w)
    out_ref[...] = jnp.broadcast_to(val, (1, 1))


def kernel(y_pred, y_true, weights):
    yt32 = y_true.astype(jnp.int32)

    hist_t = _sc_hist(_sc_hist_body)(yt32)

    masked_bin = pl.pallas_call(
        _amax_body,
        grid=(_GRID,),
        in_specs=[
            pl.BlockSpec((_B, _C), lambda i: (i, 0)),
            pl.BlockSpec((_B,), lambda i: (i,)),
        ],
        out_specs=pl.BlockSpec((_B,), lambda i: (i,)),
        out_shape=jax.ShapeDtypeStruct((_N,), jnp.int32),
    )(y_pred, yt32)

    hist_p = _sc_hist(_sc_hist_body)(masked_bin)

    out = pl.pallas_call(
        _fin_body,
        in_specs=[
            pl.BlockSpec((_NW, _HSIZE), lambda: (0, 0)),
            pl.BlockSpec((_NW, _HSIZE), lambda: (0, 0)),
            pl.BlockSpec((1, _C), lambda: (0, 0)),
        ],
        out_specs=pl.BlockSpec((1, 1), lambda: (0, 0)),
        out_shape=jax.ShapeDtypeStruct((1, 1), jnp.float32),
    )(hist_p, hist_t, weights.reshape(1, _C))
    return out.reshape(())

# --- scband reference (transcript-rebuilt; emitter-appended) ---
"""Pipeline reference for scband-weighted-accuracy-30150670418118 (READ-ONLY COPY).

The authoritative reference and input builder live on the scoring server;
editing this copy changes nothing except your own understanding.
"""

import jax, jax.numpy as jnp
import numpy as np


def setup_inputs(seed: int = 0) -> dict:
    key = jax.random.key(seed)
    k1, k2, k3 = jax.random.split(key, 3)
    N = 1000000
    C = 100
    y_pred = jax.random.normal(k1, (N, C), dtype=jnp.float32)
    y_true = jax.random.randint(k2, (N,), 0, C, dtype=jnp.int64)
    weights = jax.random.uniform(k3, (C,), dtype=jnp.float32)
    return {"y_pred": y_pred, "y_true": y_true, "weights": weights}


def reference(y_pred, y_true, weights):
    num_labels = weights.shape[0]
    pred = jnp.argmax(y_pred, axis=1)
    correct = pred == y_true
    # torch: bincount(pred[correct], minlength=C). Equivalent: route incorrect
    # predictions to an overflow bin and drop it (static shapes, jit-safe).
    y_pred_counts = jnp.bincount(
        jnp.where(correct, pred, num_labels), length=num_labels + 1
    )[:num_labels]
    y_true_counts = jnp.bincount(y_true, length=num_labels)
    is_not_null = y_true_counts > 0
    accuracy = jnp.where(
        is_not_null,
        y_pred_counts.astype(jnp.float32)
        / jnp.maximum(y_true_counts, 1).astype(jnp.float32),
        jnp.zeros((), dtype=jnp.float32),
    )
    out = jnp.dot(accuracy, weights) / jnp.sum(weights)
    return out

if __name__ == "__main__":
    import jax
    _d = setup_inputs()
    print(jax.jit(kernel)(*tuple(_d.values())))

</pallas_src>

<mosaic_0001>
#map = affine_map<(d0, d1) -> (0)>
#map1 = affine_map<(d0, d1) -> (0, 0)>
module attributes {stable_mosaic.version = 14 : i64} {
  func.func @_sc_hist_body(%arg0: i32, %arg1: i32, %arg2: memref<1000000xi32, #tpu.memory_space<hbm>>, %arg3: memref<32x2048xi32, #tpu.memory_space<hbm>>, %arg4: memref<31312xi32, #tpu.memory_space<vmem>>, %arg5: memref<2048xi32, #tpu.memory_space<vmem>>) attributes {dimension_semantics = [#tpu.dimension_semantics<core_parallel>, #tpu.dimension_semantics<subcore_parallel>], iteration_bounds = array<i64: 2, 16>, scalar_prefetch = 0 : i64, scratch_operands = 2 : i64, tpu.core_type = #tpu.core_type<sc_vector_subcore>, window_params = [{transform_indices = #map}, {transform_indices = #map1}]} {
    %mul3A = arith.constant 2 : i32
    %mul3A_0 = arith.muli %arg1, %mul3A : i32
    %add3A = arith.addi %mul3A_0, %arg0 : i32
    %mul3A_1 = arith.constant 31248 : i32
    %mul3A_2 = arith.muli %add3A, %mul3A_1 : i32
    %multiple_of3A = tpu.assume_multiple %mul3A_2, 16 : i32
    %scan3A = arith.constant 0 : i32
    %scan3A_3 = arith.constant 0 : i32
    %scan3A_4 = arith.constant 128 : i32
    %scan3A_5 = arith.addi %scan3A_3, %scan3A_4 : i32
    %scan3A_6 = arith.constant 1 : i32
    %scan3A_7 = scf.for %scan3A_27 = %scan3A_3 to %scan3A_5 step %scan3A_6 iter_args(%scan3A_28 = %scan3A) -> (i32)  : i32 {
      %broadcast_in_dim3A_29 = arith.constant 0 : i32
      %broadcast_in_dim3A_30 = vector.broadcast %broadcast_in_dim3A_29 : i32 to vector<16xi32>
      %mul3A_31 = arith.constant 16 : i32
      %mul3A_32 = arith.muli %scan3A_27, %mul3A_31 : i32
      %swap3A = arith.index_cast %mul3A_32 : i32 to index
      %swap3A_33 = tpu.vector_load %arg5[%swap3A] {strides = array<i32>} : memref<2048xi32, #tpu.memory_space<vmem>>, vector<16xi32>,
      tpu.vector_store %arg5[%swap3A], %broadcast_in_dim3A_30 {strides = array<i32>} : memref<2048xi32, #tpu.memory_space<vmem>>, vector<16xi32>,
      %scan3A_34 = arith.constant 0 : i32
      scf.yield %scan3A_34 : i32
    }
    %scan3A_8 = arith.constant 128 : i32
    "tpu.region"() ({
      %run_scoped3A = tpu.sem_alloc : memref<!tpu.dma_semaphore, #tpu.memory_space<semaphore_mem>>
      %dma_start3A = arith.constant 0 : i32
      %dma_start3A_27 = tpu.memref_slice %arg4[%dma_start3A] : memref<31312xi32, #tpu.memory_space<vmem>> -> memref<31248xi32, #tpu.memory_space<vmem>>
      %dma_start3A_28 = tpu.memref_slice %arg2[%multiple_of3A] : memref<1000000xi32, #tpu.memory_space<hbm>> -> memref<31248xi32, #tpu.memory_space<hbm>>
      %dma_start3A_29 = arith.constant 0 : i32
      %dma_start3A_30 = tpu.memref_slice %arg4[%dma_start3A_29] : memref<31312xi32, #tpu.memory_space<vmem>> -> memref<31248xi32, #tpu.memory_space<vmem>>
      %dma_start3A_31 = tpu.memref_slice %arg2[%multiple_of3A] : memref<1000000xi32, #tpu.memory_space<hbm>> -> memref<31248xi32, #tpu.memory_space<hbm>>
      tpu.enqueue_dma source(%dma_start3A_31 : memref<31248xi32, #tpu.memory_space<hbm>>) target(%dma_start3A_30 : memref<31248xi32, #tpu.memory_space<vmem>>) target_semaphore(%run_scoped3A : memref<!tpu.dma_semaphore, #tpu.memory_space<semaphore_mem>>)
      %dma_wait3A = arith.constant 0 : i32
      %dma_wait3A_32 = tpu.memref_slice %arg4[%dma_wait3A] : memref<31312xi32, #tpu.memory_space<vmem>> -> memref<31248xi32, #tpu.memory_space<vmem>>
      %dma_wait3A_33 = tpu.memref_slice %arg2[%multiple_of3A] : memref<1000000xi32, #tpu.memory_space<hbm>> -> memref<31248xi32, #tpu.memory_space<hbm>>
      %dma_wait3A_34 = arith.constant 0 : i32
      %dma_wait3A_35 = tpu.memref_slice %arg4[%dma_wait3A_34] : memref<31312xi32, #tpu.memory_space<vmem>> -> memref<31248xi32, #tpu.memory_space<vmem>>
      %dma_wait3A_36 = tpu.memref_slice %arg2[%multiple_of3A] : memref<1000000xi32, #tpu.memory_space<hbm>> -> memref<31248xi32, #tpu.memory_space<hbm>>
      tpu.wait_dma2 semaphore(%run_scoped3A : memref<!tpu.dma_semaphore, #tpu.memory_space<semaphore_mem>>) src(%dma_wait3A_36 : memref<31248xi32, #tpu.memory_space<hbm>>) dst(%dma_wait3A_35 : memref<31248xi32, #tpu.memory_space<vmem>>)
      tpu.yield
    }) : () -> ()
    %eq3A = arith.constant 31 : i32
    %eq3A_9 = arith.cmpi eq, %add3A, %eq3A : i32
    %convert_element_type3A = arith.extui %eq3A_9 : i1 to i32
    %cond3A = arith.constant 0 : i32
    %cond3A_10 = arith.cmpi ne, %convert_element_type3A, %cond3A : i32
    scf.if %cond3A_10 {
      "tpu.region"() ({
        %run_scoped3A = tpu.sem_alloc : memref<!tpu.dma_semaphore, #tpu.memory_space<semaphore_mem>>
        %dma_start3A = arith.constant 31248 : i32
        %dma_start3A_27 = tpu.memref_slice %arg4[%dma_start3A] : memref<31312xi32, #tpu.memory_space<vmem>> -> memref<64xi32, #tpu.memory_space<vmem>>
        %dma_start3A_28 = arith.constant 999936 : i32
        %dma_start3A_29 = tpu.memref_slice %arg2[%dma_start3A_28] : memref<1000000xi32, #tpu.memory_space<hbm>> -> memref<64xi32, #tpu.memory_space<hbm>>
        %dma_start3A_30 = arith.constant 31248 : i32
        %dma_start3A_31 = tpu.memref_slice %arg4[%dma_start3A_30] : memref<31312xi32, #tpu.memory_space<vmem>> -> memref<64xi32, #tpu.memory_space<vmem>>
        %dma_start3A_32 = arith.constant 999936 : i32
        %dma_start3A_33 = tpu.memref_slice %arg2[%dma_start3A_32] : memref<1000000xi32, #tpu.memory_space<hbm>> -> memref<64xi32, #tpu.memory_space<hbm>>
        tpu.enqueue_dma source(%dma_start3A_33 : memref<64xi32, #tpu.memory_space<hbm>>) target(%dma_start3A_31 : memref<64xi32, #tpu.memory_space<vmem>>) target_semaphore(%run_scoped3A : memref<!tpu.dma_semaphore, #tpu.memory_space<semaphore_mem>>)
        %dma_wait3A = arith.constant 31248 : i32
        %dma_wait3A_34 = tpu.memref_slice %arg4[%dma_wait3A] : memref<31312xi32, #tpu.memory_space<vmem>> -> memref<64xi32, #tpu.memory_space<vmem>>
        %dma_wait3A_35 = arith.constant 999936 : i32
        %dma_wait3A_36 = tpu.memref_slice %arg2[%dma_wait3A_35] : memref<1000000xi32, #tpu.memory_space<hbm>> -> memref<64xi32, #tpu.memory_space<hbm>>
        %dma_wait3A_37 = arith.constant 31248 : i32
        %dma_wait3A_38 = tpu.memref_slice %arg4[%dma_wait3A_37] : memref<31312xi32, #tpu.memory_space<vmem>> -> memref<64xi32, #tpu.memory_space<vmem>>
        %dma_wait3A_39 = arith.constant 999936 : i32
        %dma_wait3A_40 = tpu.memref_slice %arg2[%dma_wait3A_39] : memref<1000000xi32, #tpu.memory_space<hbm>> -> memref<64xi32, #tpu.memory_space<hbm>>
        tpu.wait_dma2 semaphore(%run_scoped3A : memref<!tpu.dma_semaphore, #tpu.memory_space<semaphore_mem>>) src(%dma_wait3A_40 : memref<64xi32, #tpu.memory_space<hbm>>) dst(%dma_wait3A_38 : memref<64xi32, #tpu.memory_space<vmem>>)
        tpu.yield
      }) : () -> ()
    } else {
    }
    %iota3A = tpu.iota {dimensions = array<i32: 0>} : vector<16xi32>
    %mul3A_11 = arith.constant 128 : i32
    %mul3A_12 = vector.broadcast %mul3A_11 : i32 to vector<16xi32>
    %mul3A_13 = arith.muli %iota3A, %mul3A_12 : vector<16xi32>
    %broadcast_in_dim3A = arith.constant 1 : i32
    %broadcast_in_dim3A_14 = vector.broadcast %broadcast_in_dim3A : i32 to vector<16xi32>
    %scan3A_15 = arith.constant 0 : i32
    %scan3A_16 = arith.constant 0 : i32
    %scan3A_17 = arith.constant 1953 : i32
    %scan3A_18 = arith.addi %scan3A_16, %scan3A_17 : i32
    %scan3A_19 = arith.constant 1 : i32
    %scan3A_20 = scf.for %scan3A_27 = %scan3A_16 to %scan3A_18 step %scan3A_19 iter_args(%scan3A_28 = %scan3A_15) -> (i32)  : i32 {
      %mul3A_29 = arith.constant 16 : i32
      %mul3A_30 = arith.muli %scan3A_27, %mul3A_29 : i32
      %get3A = arith.index_cast %mul3A_30 : i32 to index
      %get3A_31 = tpu.vector_load %arg4[%get3A] {strides = array<i32>} : memref<31312xi32, #tpu.memory_space<vmem>>, vector<16xi32>,
      %add3A_32 = arith.addi %mul3A_13, %get3A_31 : vector<16xi32>
      tpu.vector_store_idx %arg5[%add3A_32], %broadcast_in_dim3A_14 {add = true} : memref<2048xi32, #tpu.memory_space<vmem>>[vector<16xi32>], vector<16xi32>,
      %scan3A_33 = arith.constant 0 : i32
      scf.yield %scan3A_33 : i32
    }
    %scan3A_21 = arith.constant 1953 : i32
    %eq3A_22 = arith.constant 31 : i32
    %eq3A_23 = arith.cmpi eq, %add3A, %eq3A_22 : i32
    %convert_element_type3A_24 = arith.extui %eq3A_23 : i1 to i32
    %cond3A_25 = arith.constant 0 : i32
    %cond3A_26 = arith.cmpi ne, %convert_element_type3A_24, %cond3A_25 : i32
    scf.if %cond3A_26 {
      %scan3A_27 = arith.constant 0 : i32
      %scan3A_28 = arith.constant 1953 : i32
      %scan3A_29 = arith.constant 4 : i32
      %scan3A_30 = arith.addi %scan3A_28, %scan3A_29 : i32
      %scan3A_31 = arith.constant 1 : i32
      %scan3A_32 = scf.for %scan3A_34 = %scan3A_28 to %scan3A_30 step %scan3A_31 iter_args(%scan3A_35 = %scan3A_27) -> (i32)  : i32 {
        %mul3A_36 = arith.constant 16 : i32
        %mul3A_37 = arith.muli %scan3A_34, %mul3A_36 : i32
        %get3A = arith.index_cast %mul3A_37 : i32 to index
        %get3A_38 = tpu.vector_load %arg4[%get3A] {strides = array<i32>} : memref<31312xi32, #tpu.memory_space<vmem>>, vector<16xi32>,
        %add3A_39 = arith.addi %mul3A_13, %get3A_38 : vector<16xi32>
        tpu.vector_store_idx %arg5[%add3A_39], %broadcast_in_dim3A_14 {add = true} : memref<2048xi32, #tpu.memory_space<vmem>>[vector<16xi32>], vector<16xi32>,
        %scan3A_40 = arith.constant 0 : i32
        scf.yield %scan3A_40 : i32
      }
      %scan3A_33 = arith.constant 4 : i32
    } else {
    }
    "tpu.region"() ({
      %run_scoped3A = tpu.sem_alloc : memref<!tpu.dma_semaphore, #tpu.memory_space<semaphore_mem>>
      %dma_start3A = arith.constant 0 : i32
      %dma_start3A_27 = tpu.memref_slice %arg3[%add3A, %dma_start3A] : memref<32x2048xi32, #tpu.memory_space<hbm>> -> memref<1x2048xi32, #tpu.memory_space<hbm>>
      %dma_start3A_28 = tpu.memref_squeeze %dma_start3A_27 : memref<1x2048xi32, #tpu.memory_space<hbm>> -> memref<2048xi32, #tpu.memory_space<hbm>>
      %dma_start3A_29 = arith.constant 0 : i32
      %dma_start3A_30 = tpu.memref_slice %arg3[%add3A, %dma_start3A_29] : memref<32x2048xi32, #tpu.memory_space<hbm>> -> memref<1x2048xi32, #tpu.memory_space<hbm>>
      %dma_start3A_31 = tpu.memref_squeeze %dma_start3A_30 : memref<1x2048xi32, #tpu.memory_space<hbm>> -> memref<2048xi32, #tpu.memory_space<hbm>>
      tpu.enqueue_dma source(%arg5 : memref<2048xi32, #tpu.memory_space<vmem>>) target(%dma_start3A_31 : memref<2048xi32, #tpu.memory_space<hbm>>) target_semaphore(%run_scoped3A : memref<!tpu.dma_semaphore, #tpu.memory_space<semaphore_mem>>)
      %dma_wait3A = arith.constant 0 : i32
      %dma_wait3A_32 = tpu.memref_slice %arg3[%add3A, %dma_wait3A] : memref<32x2048xi32, #tpu.memory_space<hbm>> -> memref<1x2048xi32, #tpu.memory_space<hbm>>
      %dma_wait3A_33 = tpu.memref_squeeze %dma_wait3A_32 : memref<1x2048xi32, #tpu.memory_space<hbm>> -> memref<2048xi32, #tpu.memory_space<hbm>>
      %dma_wait3A_34 = arith.constant 0 : i32
      %dma_wait3A_35 = tpu.memref_slice %arg3[%add3A, %dma_wait3A_34] : memref<32x2048xi32, #tpu.memory_space<hbm>> -> memref<1x2048xi32, #tpu.memory_space<hbm>>
      %dma_wait3A_36 = tpu.memref_squeeze %dma_wait3A_35 : memref<1x2048xi32, #tpu.memory_space<hbm>> -> memref<2048xi32, #tpu.memory_space<hbm>>
      tpu.wait_dma2 semaphore(%run_scoped3A : memref<!tpu.dma_semaphore, #tpu.memory_space<semaphore_mem>>) src(%arg5 : memref<2048xi32, #tpu.memory_space<vmem>>) dst(%dma_wait3A_36 : memref<2048xi32, #tpu.memory_space<hbm>>)
      tpu.yield
    }) : () -> ()
    return
  }
}

#map = affine_map<(d0, d1) -> (0)>
#map1 = affine_map<(d0, d1) -> (0, 0)>
module attributes {stable_mosaic.version = 14 : i64} {
  func.func @_sc_hist_body(%arg0: i32, %arg1: i32, %arg2: memref<1000000xi32, #tpu.memory_space<hbm>>, %arg3: memref<32x2048xi32, #tpu.memory_space<hbm>>, %arg4: memref<31312xi32, #tpu.memory_space<vmem>>, %arg5: memref<2048xi32, #tpu.memory_space<vmem>>) attributes {dimension_semantics = [#tpu.dimension_semantics<core_parallel>, #tpu.dimension_semantics<subcore_parallel>], iteration_bounds = array<i64: 2, 16>, scalar_prefetch = 0 : i64, scratch_operands = 2 : i64, tpu.core_type = #tpu.core_type<sc_vector_subcore>, window_params = [{transform_indices = #map}, {transform_indices = #map1}]} {
    %mul3A = arith.constant 2 : i32
    %mul3A_0 = arith.muli %arg1, %mul3A : i32
    %add3A = arith.addi %mul3A_0, %arg0 : i32
    %mul3A_1 = arith.constant 31248 : i32
    %mul3A_2 = arith.muli %add3A, %mul3A_1 : i32
    %multiple_of3A = tpu.assume_multiple %mul3A_2, 16 : i32
    %scan3A = arith.constant 0 : i32
    %scan3A_3 = arith.constant 0 : i32
    %scan3A_4 = arith.constant 128 : i32
    %scan3A_5 = arith.addi %scan3A_3, %scan3A_4 : i32
    %scan3A_6 = arith.constant 1 : i32
    %scan3A_7 = scf.for %scan3A_27 = %scan3A_3 to %scan3A_5 step %scan3A_6 iter_args(%scan3A_28 = %scan3A) -> (i32)  : i32 {
      %broadcast_in_dim3A_29 = arith.constant 0 : i32
      %broadcast_in_dim3A_30 = vector.broadcast %broadcast_in_dim3A_29 : i32 to vector<16xi32>
      %mul3A_31 = arith.constant 16 : i32
      %mul3A_32 = arith.muli %scan3A_27, %mul3A_31 : i32
      %swap3A = arith.index_cast %mul3A_32 : i32 to index
      %swap3A_33 = tpu.vector_load %arg5[%swap3A] {strides = array<i32>} : memref<2048xi32, #tpu.memory_space<vmem>>, vector<16xi32>,
      tpu.vector_store %arg5[%swap3A], %broadcast_in_dim3A_30 {strides = array<i32>} : memref<2048xi32, #tpu.memory_space<vmem>>, vector<16xi32>,
      %scan3A_34 = arith.constant 0 : i32
      scf.yield %scan3A_34 : i32
    }
    %scan3A_8 = arith.constant 128 : i32
    "tpu.region"() ({
      %run_scoped3A = tpu.sem_alloc : memref<!tpu.dma_semaphore, #tpu.memory_space<semaphore_mem>>
      %dma_start3A = arith.constant 0 : i32
      %dma_start3A_27 = tpu.memref_slice %arg4[%dma_start3A] : memref<31312xi32, #tpu.memory_space<vmem>> -> memref<31248xi32, #tpu.memory_space<vmem>>
      %dma_start3A_28 = tpu.memref_slice %arg2[%multiple_of3A] : memref<1000000xi32, #tpu.memory_space<hbm>> -> memref<31248xi32, #tpu.memory_space<hbm>>
      %dma_start3A_29 = arith.constant 0 : i32
      %dma_start3A_30 = tpu.memref_slice %arg4[%dma_start3A_29] : memref<31312xi32, #tpu.memory_space<vmem>> -> memref<31248xi32, #tpu.memory_space<vmem>>
      %dma_start3A_31 = tpu.memref_slice %arg2[%multiple_of3A] : memref<1000000xi32, #tpu.memory_space<hbm>> -> memref<31248xi32, #tpu.memory_space<hbm>>
      tpu.enqueue_dma source(%dma_start3A_31 : memref<31248xi32, #tpu.memory_space<hbm>>) target(%dma_start3A_30 : memref<31248xi32, #tpu.memory_space<vmem>>) target_semaphore(%run_scoped3A : memref<!tpu.dma_semaphore, #tpu.memory_space<semaphore_mem>>)
      %dma_wait3A = arith.constant 0 : i32
      %dma_wait3A_32 = tpu.memref_slice %arg4[%dma_wait3A] : memref<31312xi32, #tpu.memory_space<vmem>> -> memref<31248xi32, #tpu.memory_space<vmem>>
      %dma_wait3A_33 = tpu.memref_slice %arg2[%multiple_of3A] : memref<1000000xi32, #tpu.memory_space<hbm>> -> memref<31248xi32, #tpu.memory_space<hbm>>
      %dma_wait3A_34 = arith.constant 0 : i32
      %dma_wait3A_35 = tpu.memref_slice %arg4[%dma_wait3A_34] : memref<31312xi32, #tpu.memory_space<vmem>> -> memref<31248xi32, #tpu.memory_space<vmem>>
      %dma_wait3A_36 = tpu.memref_slice %arg2[%multiple_of3A] : memref<1000000xi32, #tpu.memory_space<hbm>> -> memref<31248xi32, #tpu.memory_space<hbm>>
      tpu.wait_dma2 semaphore(%run_scoped3A : memref<!tpu.dma_semaphore, #tpu.memory_space<semaphore_mem>>) src(%dma_wait3A_36 : memref<31248xi32, #tpu.memory_space<hbm>>) dst(%dma_wait3A_35 : memref<31248xi32, #tpu.memory_space<vmem>>)
      tpu.yield
    }) : () -> ()
    %eq3A = arith.constant 31 : i32
    %eq3A_9 = arith.cmpi eq, %add3A, %eq3A : i32
    %convert_element_type3A = arith.extui %eq3A_9 : i1 to i32
    %cond3A = arith.constant 0 : i32
    %cond3A_10 = arith.cmpi ne, %convert_element_type3A, %cond3A : i32
    scf.if %cond3A_10 {
      "tpu.region"() ({
        %run_scoped3A = tpu.sem_alloc : memref<!tpu.dma_semaphore, #tpu.memory_space<semaphore_mem>>
        %dma_start3A = arith.constant 31248 : i32
        %dma_start3A_27 = tpu.memref_slice %arg4[%dma_start3A] : memref<31312xi32, #tpu.memory_space<vmem>> -> memref<64xi32, #tpu.memory_space<vmem>>
        %dma_start3A_28 = arith.constant 999936 : i32
        %dma_start3A_29 = tpu.memref_slice %arg2[%dma_start3A_28] : memref<1000000xi32, #tpu.memory_space<hbm>> -> memref<64xi32, #tpu.memory_space<hbm>>
        %dma_start3A_30 = arith.constant 31248 : i32
        %dma_start3A_31 = tpu.memref_slice %arg4[%dma_start3A_30] : memref<31312xi32, #tpu.memory_space<vmem>> -> memref<64xi32, #tpu.memory_space<vmem>>
        %dma_start3A_32 = arith.constant 999936 : i32
        %dma_start3A_33 = tpu.memref_slice %arg2[%dma_start3A_32] : memref<1000000xi32, #tpu.memory_space<hbm>> -> memref<64xi32, #tpu.memory_space<hbm>>
        tpu.enqueue_dma source(%dma_start3A_33 : memref<64xi32, #tpu.memory_space<hbm>>) target(%dma_start3A_31 : memref<64xi32, #tpu.memory_space<vmem>>) target_semaphore(%run_scoped3A : memref<!tpu.dma_semaphore, #tpu.memory_space<semaphore_mem>>)
        %dma_wait3A = arith.constant 31248 : i32
        %dma_wait3A_34 = tpu.memref_slice %arg4[%dma_wait3A] : memref<31312xi32, #tpu.memory_space<vmem>> -> memref<64xi32, #tpu.memory_space<vmem>>
        %dma_wait3A_35 = arith.constant 999936 : i32
        %dma_wait3A_36 = tpu.memref_slice %arg2[%dma_wait3A_35] : memref<1000000xi32, #tpu.memory_space<hbm>> -> memref<64xi32, #tpu.memory_space<hbm>>
        %dma_wait3A_37 = arith.constant 31248 : i32
        %dma_wait3A_38 = tpu.memref_slice %arg4[%dma_wait3A_37] : memref<31312xi32, #tpu.memory_space<vmem>> -> memref<64xi32, #tpu.memory_space<vmem>>
        %dma_wait3A_39 = arith.constant 999936 : i32
        %dma_wait3A_40 = tpu.memref_slice %arg2[%dma_wait3A_39] : memref<1000000xi32, #tpu.memory_space<hbm>> -> memref<64xi32, #tpu.memory_space<hbm>>
        tpu.wait_dma2 semaphore(%run_scoped3A : memref<!tpu.dma_semaphore, #tpu.memory_space<semaphore_mem>>) src(%dma_wait3A_40 : memref<64xi32, #tpu.memory_space<hbm>>) dst(%dma_wait3A_38 : memref<64xi32, #tpu.memory_space<vmem>>)
        tpu.yield
      }) : () -> ()
    } else {
    }
    %iota3A = tpu.iota {dimensions = array<i32: 0>} : vector<16xi32>
    %mul3A_11 = arith.constant 128 : i32
    %mul3A_12 = vector.broadcast %mul3A_11 : i32 to vector<16xi32>
    %mul3A_13 = arith.muli %iota3A, %mul3A_12 : vector<16xi32>
    %broadcast_in_dim3A = arith.constant 1 : i32
    %broadcast_in_dim3A_14 = vector.broadcast %broadcast_in_dim3A : i32 to vector<16xi32>
    %scan3A_15 = arith.constant 0 : i32
    %scan3A_16 = arith.constant 0 : i32
    %scan3A_17 = arith.constant 1953 : i32
    %scan3A_18 = arith.addi %scan3A_16, %scan3A_17 : i32
    %scan3A_19 = arith.constant 1 : i32
    %scan3A_20 = scf.for %scan3A_27 = %scan3A_16 to %scan3A_18 step %scan3A_19 iter_args(%scan3A_28 = %scan3A_15) -> (i32)  : i32 {
      %mul3A_29 = arith.constant 16 : i32
      %mul3A_30 = arith.muli %scan3A_27, %mul3A_29 : i32
      %get3A = arith.index_cast %mul3A_30 : i32 to index
      %get3A_31 = tpu.vector_load %arg4[%get3A] {strides = array<i32>} : memref<31312xi32, #tpu.memory_space<vmem>>, vector<16xi32>,
      %add3A_32 = arith.addi %mul3A_13, %get3A_31 : vector<16xi32>
      tpu.vector_store_idx %arg5[%add3A_32], %broadcast_in_dim3A_14 {add = true} : memref<2048xi32, #tpu.memory_space<vmem>>[vector<16xi32>], vector<16xi32>,
      %scan3A_33 = arith.constant 0 : i32
      scf.yield %scan3A_33 : i32
    }
    %scan3A_21 = arith.constant 1953 : i32
    %eq3A_22 = arith.constant 31 : i32
    %eq3A_23 = arith.cmpi eq, %add3A, %eq3A_22 : i32
    %convert_element_type3A_24 = arith.extui %eq3A_23 : i1 to i32
    %cond3A_25 = arith.constant 0 : i32
    %cond3A_26 = arith.cmpi ne, %convert_element_type3A_24, %cond3A_25 : i32
    scf.if %cond3A_26 {
      %scan3A_27 = arith.constant 0 : i32
      %scan3A_28 = arith.constant 1953 : i32
      %scan3A_29 = arith.constant 4 : i32
      %scan3A_30 = arith.addi %scan3A_28, %scan3A_29 : i32
      %scan3A_31 = arith.constant 1 : i32
      %scan3A_32 = scf.for %scan3A_34 = %scan3A_28 to %scan3A_30 step %scan3A_31 iter_args(%scan3A_35 = %scan3A_27) -> (i32)  : i32 {
        %mul3A_36 = arith.constant 16 : i32
        %mul3A_37 = arith.muli %scan3A_34, %mul3A_36 : i32
        %get3A = arith.index_cast %mul3A_37 : i32 to index
        %get3A_38 = tpu.vector_load %arg4[%get3A] {strides = array<i32>} : memref<31312xi32, #tpu.memory_space<vmem>>, vector<16xi32>,
        %add3A_39 = arith.addi %mul3A_13, %get3A_38 : vector<16xi32>
        tpu.vector_store_idx %arg5[%add3A_39], %broadcast_in_dim3A_14 {add = true} : memref<2048xi32, #tpu.memory_space<vmem>>[vector<16xi32>], vector<16xi32>,
        %scan3A_40 = arith.constant 0 : i32
        scf.yield %scan3A_40 : i32
      }
      %scan3A_33 = arith.constant 4 : i32
    } else {
    }
    "tpu.region"() ({
      %run_scoped3A = tpu.sem_alloc : memref<!tpu.dma_semaphore, #tpu.memory_space<semaphore_mem>>
      %dma_start3A = arith.constant 0 : i32
      %dma_start3A_27 = tpu.memref_slice %arg3[%add3A, %dma_start3A] : memref<32x2048xi32, #tpu.memory_space<hbm>> -> memref<1x2048xi32, #tpu.memory_space<hbm>>
      %dma_start3A_28 = tpu.memref_squeeze %dma_start3A_27 : memref<1x2048xi32, #tpu.memory_space<hbm>> -> memref<2048xi32, #tpu.memory_space<hbm>>
      %dma_start3A_29 = arith.constant 0 : i32
      %dma_start3A_30 = tpu.memref_slice %arg3[%add3A, %dma_start3A_29] : memref<32x2048xi32, #tpu.memory_space<hbm>> -> memref<1x2048xi32, #tpu.memory_space<hbm>>
      %dma_start3A_31 = tpu.memref_squeeze %dma_start3A_30 : memref<1x2048xi32, #tpu.memory_space<hbm>> -> memref<2048xi32, #tpu.memory_space<hbm>>
      tpu.enqueue_dma source(%arg5 : memref<2048xi32, #tpu.memory_space<vmem>>) target(%dma_start3A_31 : memref<2048xi32, #tpu.memory_space<hbm>>) target_semaphore(%run_scoped3A : memref<!tpu.dma_semaphore, #tpu.memory_space<semaphore_mem>>)
      %dma_wait3A = arith.constant 0 : i32
      %dma_wait3A_32 = tpu.memref_slice %arg3[%add3A, %dma_wait3A] : memref<32x2048xi32, #tpu.memory_space<hbm>> -> memref<1x2048xi32, #tpu.memory_space<hbm>>
      %dma_wait3A_33 = tpu.memref_squeeze %dma_wait3A_32 : memref<1x2048xi32, #tpu.memory_space<hbm>> -> memref<2048xi32, #tpu.memory_space<hbm>>
      %dma_wait3A_34 = arith.constant 0 : i32
      %dma_wait3A_35 = tpu.memref_slice %arg3[%add3A, %dma_wait3A_34] : memref<32x2048xi32, #tpu.memory_space<hbm>> -> memref<1x2048xi32, #tpu.memory_space<hbm>>
      %dma_wait3A_36 = tpu.memref_squeeze %dma_wait3A_35 : memref<1x2048xi32, #tpu.memory_space<hbm>> -> memref<2048xi32, #tpu.memory_space<hbm>>
      tpu.wait_dma2 semaphore(%run_scoped3A : memref<!tpu.dma_semaphore, #tpu.memory_space<semaphore_mem>>) src(%arg5 : memref<2048xi32, #tpu.memory_space<vmem>>) dst(%dma_wait3A_36 : memref<2048xi32, #tpu.memory_space<hbm>>)
      tpu.yield
    }) : () -> ()
    return
  }
}

module attributes {stable_mosaic.version = 14 : i64} {
  func.func @_amax_body(%arg0: i32, %arg1: memref<2048x100xf32, #tpu.memory_space<vmem>>, %arg2: memref<2048xi32, #tpu.memory_space<vmem>>, %arg3: memref<2048xi32, #tpu.memory_space<vmem>>) attributes {dimension_semantics = [#tpu.dimension_semantics<arbitrary>], iteration_bounds = array<i64: 489>, scalar_prefetch = 0 : i64, scratch_operands = 0 : i64, tpu.core_type = #tpu.core_type<tc>, window_params = [{transform_indices = @transform_0, window_bounds = array<i64: 2048, 100>}, {transform_indices = @transform_1, window_bounds = array<i64: 2048>}, {transform_indices = @transform_2, window_bounds = array<i64: 2048>}]} {
    %get3A = arith.constant 0 : index
    %get3A_0 = arith.constant 0 : index
    %get3A_1 = vector.load %arg1[%get3A, %get3A_0] : memref<2048x100xf32, #tpu.memory_space<vmem>>, vector<2048x100xf32>
    %transpose3A = tpu.transpose %get3A_1, [1, 0] : vector<2048x100xf32> -> vector<100x2048xf32>
    %get3A_2 = arith.constant 0 : index
    %get3A_3 = vector.load %arg2[%get3A_2] : memref<2048xi32, #tpu.memory_space<vmem>>, vector<2048xi32>
    %broadcast_in_dim3A = vector.shape_cast %get3A_3 : vector<2048xi32> to vector<1x2048xi32>
    %iota3A = tpu.iota {dimensions = array<i32: 0>} : vector<100x2048xi32>
    %eq3A = vector.broadcast %broadcast_in_dim3A : vector<1x2048xi32> to vector<100x2048xi32>
    %eq3A_4 = arith.cmpi eq, %iota3A, %eq3A : vector<100x2048xi32>
    %jit3A = arith.constant 0xFF800000 : f32
    %broadcast_in_dim3A_5 = vector.broadcast %jit3A : f32 to vector<100x2048xf32>
    %select_n3A = arith.select %eq3A_4, %transpose3A, %broadcast_in_dim3A_5 : vector<100x2048xi1>, vector<100x2048xf32>
    %reduce_max3A = arith.constant dense<0xFF800000> : vector<2048xf32>
    %reduce_max3A_6 = vector.multi_reduction <maximumf>, %select_n3A, %reduce_max3A [0] : vector<100x2048xf32> to vector<2048xf32>
    %broadcast_in_dim3A_7 = vector.shape_cast %reduce_max3A_6 : vector<2048xf32> to vector<1x2048xf32>
    %reduce_max3A_8 = arith.constant dense<0xFF800000> : vector<2048xf32>
    %reduce_max3A_9 = vector.multi_reduction <maximumf>, %transpose3A, %reduce_max3A_8 [0] : vector<100x2048xf32> to vector<2048xf32>
    %broadcast_in_dim3A_10 = vector.shape_cast %reduce_max3A_9 : vector<2048xf32> to vector<1x2048xf32>
    %ge3A = arith.cmpf oge, %broadcast_in_dim3A_7, %broadcast_in_dim3A_10 : vector<1x2048xf32>
    %jit3A_11 = arith.constant 100 : i32
    %broadcast_in_dim3A_12 = vector.broadcast %jit3A_11 : i32 to vector<1x2048xi32>
    %select_n3A_13 = arith.select %ge3A, %broadcast_in_dim3A, %broadcast_in_dim3A_12 : vector<1x2048xi1>, vector<1x2048xi32>
    %squeeze3A = vector.shape_cast %select_n3A_13 : vector<1x2048xi32> to vector<2048xi32>
    %swap3A = arith.constant 0 : index
    %swap3A_14 = vector.load %arg3[%swap3A] : memref<2048xi32, #tpu.memory_space<vmem>>, vector<2048xi32>
    tpu.vector_store %arg3[%swap3A], %squeeze3A {strides = array<i32>} : memref<2048xi32, #tpu.memory_space<vmem>>, vector<2048xi32>,
    return
  }
  func.func @transform_0(%arg0: i32) -> (i32, i32) {
    %c0_i32 = arith.constant 0 : i32
    %c0_i32_0 = arith.constant 0 : i32
    return %arg0, %c0_i32 : i32, i32
  }
  func.func @transform_1(%arg0: i32) -> i32 {
    %c0_i32 = arith.constant 0 : i32
    return %arg0 : i32
  }
  func.func @transform_2(%arg0: i32) -> i32 {
    %c0_i32 = arith.constant 0 : i32
    return %arg0 : i32
  }
}

module attributes {stable_mosaic.version = 14 : i64} {
  func.func @_fin_body(%arg0: memref<32x2048xi32, #tpu.memory_space<vmem>>, %arg1: memref<32x2048xi32, #tpu.memory_space<vmem>>, %arg2: memref<1x100xf32, #tpu.memory_space<vmem>>, %arg3: memref<1x1xf32, #tpu.memory_space<vmem>>) attributes {dimension_semantics = [], scalar_prefetch = 0 : i64, scratch_operands = 0 : i64, tpu.core_type = #tpu.core_type<tc>} {
    %get3A = arith.constant 0 : index
    %get3A_0 = arith.constant 0 : index
    %get3A_1 = vector.load %arg0[%get3A, %get3A_0] : memref<32x2048xi32, #tpu.memory_space<vmem>>, vector<32x2048xi32>
    %reduce_sum3A = arith.constant dense<0> : vector<2048xi32>
    %reduce_sum3A_2 = vector.multi_reduction <add>, %get3A_1, %reduce_sum3A [0] : vector<32x2048xi32> to vector<2048xi32>
    %broadcast_in_dim3A = vector.shape_cast %reduce_sum3A_2 : vector<2048xi32> to vector<1x2048xi32>
    %get3A_3 = arith.constant 0 : index
    %get3A_4 = arith.constant 0 : index
    %get3A_5 = vector.load %arg1[%get3A_3, %get3A_4] : memref<32x2048xi32, #tpu.memory_space<vmem>>, vector<32x2048xi32>
    %reduce_sum3A_6 = arith.constant dense<0> : vector<2048xi32>
    %reduce_sum3A_7 = vector.multi_reduction <add>, %get3A_5, %reduce_sum3A_6 [0] : vector<32x2048xi32> to vector<2048xi32>
    %broadcast_in_dim3A_8 = vector.shape_cast %reduce_sum3A_7 : vector<2048xi32> to vector<1x2048xi32>
    %broadcast_in_dim3A_9 = arith.constant 0 : i32
    %broadcast_in_dim3A_10 = vector.broadcast %broadcast_in_dim3A_9 : i32 to vector<1x128xi32>
    %broadcast_in_dim3A_11 = arith.constant 0 : i32
    %broadcast_in_dim3A_12 = vector.broadcast %broadcast_in_dim3A_11 : i32 to vector<1x128xi32>
    %slice3A = vector.extract_strided_slice %broadcast_in_dim3A {offsets = [0, 0], sizes = [1, 128], strides = [1, 1]} : vector<1x2048xi32> to vector<1x128xi32>
    %add3A = arith.addi %broadcast_in_dim3A_10, %slice3A : vector<1x128xi32>
    %slice3A_13 = vector.extract_strided_slice %broadcast_in_dim3A_8 {offsets = [0, 0], sizes = [1, 128], strides = [1, 1]} : vector<1x2048xi32> to vector<1x128xi32>
    %add3A_14 = arith.addi %broadcast_in_dim3A_12, %slice3A_13 : vector<1x128xi32>
    %slice3A_15 = vector.extract_strided_slice %broadcast_in_dim3A {offsets = [0, 128], sizes = [1, 128], strides = [1, 1]} : vector<1x2048xi32> to vector<1x128xi32>
    %add3A_16 = arith.addi %add3A, %slice3A_15 : vector<1x128xi32>
    %slice3A_17 = vector.extract_strided_slice %broadcast_in_dim3A_8 {offsets = [0, 128], sizes = [1, 128], strides = [1, 1]} : vector<1x2048xi32> to vector<1x128xi32>
    %add3A_18 = arith.addi %add3A_14, %slice3A_17 : vector<1x128xi32>
    %slice3A_19 = vector.extract_strided_slice %broadcast_in_dim3A {offsets = [0, 256], sizes = [1, 128], strides = [1, 1]} : vector<1x2048xi32> to vector<1x128xi32>
    %add3A_20 = arith.addi %add3A_16, %slice3A_19 : vector<1x128xi32>
    %slice3A_21 = vector.extract_strided_slice %broadcast_in_dim3A_8 {offsets = [0, 256], sizes = [1, 128], strides = [1, 1]} : vector<1x2048xi32> to vector<1x128xi32>
    %add3A_22 = arith.addi %add3A_18, %slice3A_21 : vector<1x128xi32>
    %slice3A_23 = vector.extract_strided_slice %broadcast_in_dim3A {offsets = [0, 384], sizes = [1, 128], strides = [1, 1]} : vector<1x2048xi32> to vector<1x128xi32>
    %add3A_24 = arith.addi %add3A_20, %slice3A_23 : vector<1x128xi32>
    %slice3A_25 = vector.extract_strided_slice %broadcast_in_dim3A_8 {offsets = [0, 384], sizes = [1, 128], strides = [1, 1]} : vector<1x2048xi32> to vector<1x128xi32>
    %add3A_26 = arith.addi %add3A_22, %slice3A_25 : vector<1x128xi32>
    %slice3A_27 = vector.extract_strided_slice %broadcast_in_dim3A {offsets = [0, 512], sizes = [1, 128], strides = [1, 1]} : vector<1x2048xi32> to vector<1x128xi32>
    %add3A_28 = arith.addi %add3A_24, %slice3A_27 : vector<1x128xi32>
    %slice3A_29 = vector.extract_strided_slice %broadcast_in_dim3A_8 {offsets = [0, 512], sizes = [1, 128], strides = [1, 1]} : vector<1x2048xi32> to vector<1x128xi32>
    %add3A_30 = arith.addi %add3A_26, %slice3A_29 : vector<1x128xi32>
    %slice3A_31 = vector.extract_strided_slice %broadcast_in_dim3A {offsets = [0, 640], sizes = [1, 128], strides = [1, 1]} : vector<1x2048xi32> to vector<1x128xi32>
    %add3A_32 = arith.addi %add3A_28, %slice3A_31 : vector<1x128xi32>
    %slice3A_33 = vector.extract_strided_slice %broadcast_in_dim3A_8 {offsets = [0, 640], sizes = [1, 128], strides = [1, 1]} : vector<1x2048xi32> to vector<1x128xi32>
    %add3A_34 = arith.addi %add3A_30, %slice3A_33 : vector<1x128xi32>
    %slice3A_35 = vector.extract_strided_slice %broadcast_in_dim3A {offsets = [0, 768], sizes = [1, 128], strides = [1, 1]} : vector<1x2048xi32> to vector<1x128xi32>
    %add3A_36 = arith.addi %add3A_32, %slice3A_35 : vector<1x128xi32>
    %slice3A_37 = vector.extract_strided_slice %broadcast_in_dim3A_8 {offsets = [0, 768], sizes = [1, 128], strides = [1, 1]} : vector<1x2048xi32> to vector<1x128xi32>
    %add3A_38 = arith.addi %add3A_34, %slice3A_37 : vector<1x128xi32>
    %slice3A_39 = vector.extract_strided_slice %broadcast_in_dim3A {offsets = [0, 896], sizes = [1, 128], strides = [1, 1]} : vector<1x2048xi32> to vector<1x128xi32>
    %add3A_40 = arith.addi %add3A_36, %slice3A_39 : vector<1x128xi32>
    %slice3A_41 = vector.extract_strided_slice %broadcast_in_dim3A_8 {offsets = [0, 896], sizes = [1, 128], strides = [1, 1]} : vector<1x2048xi32> to vector<1x128xi32>
    %add3A_42 = arith.addi %add3A_38, %slice3A_41 : vector<1x128xi32>
    %slice3A_43 = vector.extract_strided_slice %broadcast_in_dim3A {offsets = [0, 1024], sizes = [1, 128], strides = [1, 1]} : vector<1x2048xi32> to vector<1x128xi32>
    %add3A_44 = arith.addi %add3A_40, %slice3A_43 : vector<1x128xi32>
    %slice3A_45 = vector.extract_strided_slice %broadcast_in_dim3A_8 {offsets = [0, 1024], sizes = [1, 128], strides = [1, 1]} : vector<1x2048xi32> to vector<1x128xi32>
    %add3A_46 = arith.addi %add3A_42, %slice3A_45 : vector<1x128xi32>
    %slice3A_47 = vector.extract_strided_slice %broadcast_in_dim3A {offsets = [0, 1152], sizes = [1, 128], strides = [1, 1]} : vector<1x2048xi32> to vector<1x128xi32>
    %add3A_48 = arith.addi %add3A_44, %slice3A_47 : vector<1x128xi32>
    %slice3A_49 = vector.extract_strided_slice %broadcast_in_dim3A_8 {offsets = [0, 1152], sizes = [1, 128], strides = [1, 1]} : vector<1x2048xi32> to vector<1x128xi32>
    %add3A_50 = arith.addi %add3A_46, %slice3A_49 : vector<1x128xi32>
    %slice3A_51 = vector.extract_strided_slice %broadcast_in_dim3A {offsets = [0, 1280], sizes = [1, 128], strides = [1, 1]} : vector<1x2048xi32> to vector<1x128xi32>
    %add3A_52 = arith.addi %add3A_48, %slice3A_51 : vector<1x128xi32>
    %slice3A_53 = vector.extract_strided_slice %broadcast_in_dim3A_8 {offsets = [0, 1280], sizes = [1, 128], strides = [1, 1]} : vector<1x2048xi32> to vector<1x128xi32>
    %add3A_54 = arith.addi %add3A_50, %slice3A_53 : vector<1x128xi32>
    %slice3A_55 = vector.extract_strided_slice %broadcast_in_dim3A {offsets = [0, 1408], sizes = [1, 128], strides = [1, 1]} : vector<1x2048xi32> to vector<1x128xi32>
    %add3A_56 = arith.addi %add3A_52, %slice3A_55 : vector<1x128xi32>
    %slice3A_57 = vector.extract_strided_slice %broadcast_in_dim3A_8 {offsets = [0, 1408], sizes = [1, 128], strides = [1, 1]} : vector<1x2048xi32> to vector<1x128xi32>
    %add3A_58 = arith.addi %add3A_54, %slice3A_57 : vector<1x128xi32>
    %slice3A_59 = vector.extract_strided_slice %broadcast_in_dim3A {offsets = [0, 1536], sizes = [1, 128], strides = [1, 1]} : vector<1x2048xi32> to vector<1x128xi32>
    %add3A_60 = arith.addi %add3A_56, %slice3A_59 : vector<1x128xi32>
    %slice3A_61 = vector.extract_strided_slice %broadcast_in_dim3A_8 {offsets = [0, 1536], sizes = [1, 128], strides = [1, 1]} : vector<1x2048xi32> to vector<1x128xi32>
    %add3A_62 = arith.addi %add3A_58, %slice3A_61 : vector<1x128xi32>
    %slice3A_63 = vector.extract_strided_slice %broadcast_in_dim3A {offsets = [0, 1664], sizes = [1, 128], strides = [1, 1]} : vector<1x2048xi32> to vector<1x128xi32>
    %add3A_64 = arith.addi %add3A_60, %slice3A_63 : vector<1x128xi32>
    %slice3A_65 = vector.extract_strided_slice %broadcast_in_dim3A_8 {offsets = [0, 1664], sizes = [1, 128], strides = [1, 1]} : vector<1x2048xi32> to vector<1x128xi32>
    %add3A_66 = arith.addi %add3A_62, %slice3A_65 : vector<1x128xi32>
    %slice3A_67 = vector.extract_strided_slice %broadcast_in_dim3A {offsets = [0, 1792], sizes = [1, 128], strides = [1, 1]} : vector<1x2048xi32> to vector<1x128xi32>
    %add3A_68 = arith.addi %add3A_64, %slice3A_67 : vector<1x128xi32>
    %slice3A_69 = vector.extract_strided_slice %broadcast_in_dim3A_8 {offsets = [0, 1792], sizes = [1, 128], strides = [1, 1]} : vector<1x2048xi32> to vector<1x128xi32>
    %add3A_70 = arith.addi %add3A_66, %slice3A_69 : vector<1x128xi32>
    %slice3A_71 = vector.extract_strided_slice %broadcast_in_dim3A {offsets = [0, 1920], sizes = [1, 128], strides = [1, 1]} : vector<1x2048xi32> to vector<1x128xi32>
    %add3A_72 = arith.addi %add3A_68, %slice3A_71 : vector<1x128xi32>
    %slice3A_73 = vector.extract_strided_slice %broadcast_in_dim3A_8 {offsets = [0, 1920], sizes = [1, 128], strides = [1, 1]} : vector<1x2048xi32> to vector<1x128xi32>
    %add3A_74 = arith.addi %add3A_70, %slice3A_73 : vector<1x128xi32>
    %slice3A_75 = vector.extract_strided_slice %add3A_74 {offsets = [0, 0], sizes = [1, 100], strides = [1, 1]} : vector<1x128xi32> to vector<1x100xi32>
    %gt3A = arith.constant 0 : i32
    %gt3A_76 = vector.broadcast %gt3A : i32 to vector<1x100xi32>
    %gt3A_77 = arith.cmpi sgt, %slice3A_75, %gt3A_76 : vector<1x100xi32>
    %slice3A_78 = vector.extract_strided_slice %add3A_72 {offsets = [0, 0], sizes = [1, 100], strides = [1, 1]} : vector<1x128xi32> to vector<1x100xi32>
    %convert_element_type3A = arith.sitofp %slice3A_78 : vector<1x100xi32> to vector<1x100xf32>
    %max3A = arith.constant 1 : i32
    %max3A_79 = vector.broadcast %max3A : i32 to vector<1x100xi32>
    %max3A_80 = arith.maxsi %slice3A_75, %max3A_79 : vector<1x100xi32>
    %convert_element_type3A_81 = arith.sitofp %max3A_80 : vector<1x100xi32> to vector<1x100xf32>
    %div3A = arith.divf %convert_element_type3A, %convert_element_type3A_81 : vector<1x100xf32>
    %jit3A = arith.constant 0.000000e+00 : f32
    %broadcast_in_dim3A_82 = vector.broadcast %jit3A : f32 to vector<1x100xf32>
    %select_n3A = arith.select %gt3A_77, %div3A, %broadcast_in_dim3A_82 : vector<1x100xi1>, vector<1x100xf32>
    %get3A_83 = arith.constant 0 : index
    %get3A_84 = arith.constant 0 : index
    %get3A_85 = vector.load %arg2[%get3A_83, %get3A_84] : memref<1x100xf32, #tpu.memory_space<vmem>>, vector<1x100xf32>
    %mul3A = arith.mulf %select_n3A, %get3A_85 : vector<1x100xf32>
    %reduce_sum3A_86 = vector.shape_cast %mul3A : vector<1x100xf32> to vector<1x1x100xf32>
    %reduce_sum3A_87 = arith.constant dense<0.000000e+00> : vector<1xf32>
    %reduce_sum3A_88 = vector.multi_reduction <add>, %reduce_sum3A_86, %reduce_sum3A_87 [1, 2] : vector<1x1x100xf32> to vector<1xf32>
    %reduce_sum3A_89 = vector.shape_cast %reduce_sum3A_88 : vector<1xf32> to vector<1x1x1xf32>
    %reduce_sum3A_90 = vector.extract %reduce_sum3A_89[0, 0, 0] : f32 from vector<1x1x1xf32>
    %reduce_sum3A_91 = vector.shape_cast %get3A_85 : vector<1x100xf32> to vector<1x1x100xf32>
    %reduce_sum3A_92 = arith.constant dense<0.000000e+00> : vector<1xf32>
    %reduce_sum3A_93 = vector.multi_reduction <add>, %reduce_sum3A_91, %reduce_sum3A_92 [1, 2] : vector<1x1x100xf32> to vector<1xf32>
    %reduce_sum3A_94 = vector.shape_cast %reduce_sum3A_93 : vector<1xf32> to vector<1x1x1xf32>
    %reduce_sum3A_95 = vector.extract %reduce_sum3A_94[0, 0, 0] : f32 from vector<1x1x1xf32>
    %div3A_96 = arith.divf %reduce_sum3A_90, %reduce_sum3A_95 : f32
    %broadcast_in_dim3A_97 = vector.broadcast %div3A_96 : f32 to vector<1x1xf32>
    %swap3A = arith.constant 0 : index
    %swap3A_98 = arith.constant 0 : index
    %swap3A_99 = vector.load %arg3[%swap3A, %swap3A_98] : memref<1x1xf32, #tpu.memory_space<vmem>>, vector<1x1xf32>
    tpu.vector_store %arg3[%swap3A, %swap3A_98], %broadcast_in_dim3A_97 {strides = array<i32>} : memref<1x1xf32, #tpu.memory_space<vmem>>, vector<1x1xf32>,
    return
  }
}

</mosaic_0001>

<sc_bundles>
// kernel: kernel.6.cloned.1.call-start
scs
__scs_entry_jumppad:
0x0: {  	(pc) =	sbr.rel $0x88, $3  }
0x1: {  	(tag) =	ssettag $0x0;
	lr =	simm.s32 $0x1  }
0x2: {  	[smem:$0x3F9E] =	sst lr;
	_ =	strace $0xD0000000  }
0x3: {  	_ = 	snop  }
0x4: {  	_ = 	snop  }
0x5: {  	_ = 	snop  }
0x6: {  	_ = 	snop  }
0x7: {  	_ = 	snop  }
__scs_overlays_trampoline_lowered:
0x8: {  	[smem:$0x3FAD] =	sst s0  }
0x9: {  	[smem:$0x3FAE] =	sst s1  }
0xa: {  	[smem:$0x3FAF] =	sst s2  }
0xb: {  	[smem:$0x3FB0] =	sst s3  }
0xc: {  	[smem:$0x3FB1] =	sst s4  }
0xd: {  	[smem:$0x3FB2] =	sst s5  }
0xe: {  	[smem:$0x3FB3] =	sst s6  }
0xf: {  	[smem:$0x3FB4] =	sst s7  }
0x10: {  	[smem:$0x3FB5] =	sst s8  }
0x11: {  	[smem:$0x3FB6] =	sst s9;
	s0 =	simm.s32 @!p0 $0x0  }
0x12: {  	s1 =	sld [smem:$0x3F9C];
	s0 =	simm.s32 @p0 $0x1  }
0x13: {  	[smem:$0x3FB7] =	sst s0;
	s0 =	simm.s32 @!p1 $0x0  }
0x14: {  	s2 =	sld [smem:$0x3F9B];
	s0 =	simm.s32 @p1 $0x1  }
0x15: {  	[smem:$0x3FB8] =	sst s0;
	s0 =	simm.s32 @!p2 $0x0  }
0x16: {  	s3 =	sld [smem:$0x3FDB];
	s0 =	simm.s32 @p2 $0x1  }
0x17: {  	s4 =	simm.s32 $0x1BF5;
	[smem:$0x3FBA] =	sst s0  }
0x18: {  	s0 =	sld [smem:$0x3F9D];
	_ =	swait.ge [sflag:s4], $0x0  }
0x19: {  	s7 =	sld [smem:$0x3F9E]  }
0x1a: {  	s8 =	sadd.s32 $0xFFFFE003, lr  }
0x1b: {  	s9 =	sadd.s32 $0xFFFFFEF7, lr;
	s5 =	simm.s32 $0xFFFFFFFF;
	p2 =	slt.u32 s8, $0xFFFFF086  }
0x1c: {  	p1 =	slt.u32 s9, $0xF7A;
	s5 =	simm.s32 @!p2 $0x0  }
0x1d: {  	s5 =	simm.s32 @p1 $0x1;
	p0 =	seq.s32 s7, s2  }
0x1e: {  	s7 =	smul.u32 @!p0 $0xF7A, s2;
	p2 =	seq.s32 @!p0 s5, $0x0  }
0x1f: {  	s9 =	smul.u32 $0xF7A, s1;
	s8 =	simm.s32 @!p0 $0x1BF5;
	p2 =	por !p2, p0  }
0x20: {  	[sflag:s8] =	ssyncset.s32 @!p0 $0xFFFFF086;
	s6 =	sadd.s32 @!p0 s3, s7;
	s7 =	simm.s32 @!p0 $0x108  }
0x21: {  	s3 =	sadd.s32 s3, s9;
	s6 =	sadd.s32 @!p0 $0x88, s6;
	s7 =	simm.s32 @p2 $0x1082  }
0x22: {  	[simem:s7], [sflag:s8] =	dma.local @!p0 [hbm:s6], $0xF7A  }
0x23: {  	s9 =	sor.u32 $0xD0000000, s2;
	s6 =	simm.s32 $0x108;
	_ =	swait.ge @!p0 [sflag:s8], $0x0  }
0x24: {  	s3 =	sadd.s32 $0x88, s3;
	s6 =	simm.s32 @!p1 $0x1082;
	[sflag:s4] =	ssyncset.s32 $0xFFFFF086  }
0x25: {  	[simem:s6], [sflag:s4] =	dma.local [hbm:s3], $0xF7A  }
0x26: {  	[smem:$0x3F9E] =	sst s1;
	(tag) =	ssettag s2;
	_ =	strace s9  }
0x27: {  	s1 =	sld [smem:$0x3FAE]  }
0x28: {  	s2 =	sld [smem:$0x3FAF]  }
0x29: {  	s4 =	sld [smem:$0x3FB1]  }
0x2a: {  	p0 =	seq.s32 s5, $0x0;
	s5 =	sld [smem:$0x3FB2]  }
0x2b: {  	s6 =	sld [smem:$0x3FB3]  }
0x2c: {  	s7 =	sld [smem:$0x3FB4]  }
0x2d: {  	s3 =	simm.s32 $0x108;
	s8 =	sld [smem:$0x3FB5]  }
0x2e: {  	s3 =	simm.s32 @!p0 $0x1082;
	s9 =	sld [smem:$0x3FB6]  }
0x2f: {  	lr =	sadd.s32 s0, s3;
	s0 =	sld [smem:$0x3FAD]  }
0x30: {  	s3 =	sld [smem:$0x3FB0]  }
0x31: {  	[smem:$0x3FB9] =	sst s10  }
0x32: {  	s10 =	sld [smem:$0x3FB7];
	_ =	sdelay $0x3  }
0x33: {  	p0 =	seq.s32 s10, $0x1;
	s10 =	sld [smem:$0x3FB9];
	_ =	sdelay $0x3  }
0x34: {  	[smem:$0x3FB9] =	sst s10  }
0x35: {  	s10 =	sld [smem:$0x3FB8];
	_ =	sdelay $0x3  }
0x36: {  	p1 =	seq.s32 s10, $0x1;
	s10 =	sld [smem:$0x3FB9];
	_ =	sdelay $0x3  }
0x37: {  	[smem:$0x3FB9] =	sst s10  }
0x38: {  	s10 =	sld [smem:$0x3FBA]  }
0x39: {  	_ = 	snop;
	(pc) =	sbr.ind lr, $3  }
0x3a: {  	_ = 	snop  }
0x3b: {  	_ = 	snop  }
0x3c: {  	p2 =	seq.s32 s10, $0x1;
	s10 =	sld [smem:$0x3FB9]  }
0x3d: {  	_ =	shalt  }
0x3e: {  	_ =	shalt  }
0x3f: {  	_ =	shalt  }
0x40: {  	_ =	shalt  }
0x41: {  	_ =	shalt  }
0x42: {  	_ =	shalt  }
0x43: {  	_ =	shalt  }
0x44: {  	_ =	shalt  }
0x45: {  	_ =	shalt  }
0x46: {  	_ =	shalt  }
0x47: {  	_ =	shalt  }
0x48: {  	_ =	shalt  }
0x49: {  	_ =	shalt  }
0x4a: {  	_ =	shalt  }
0x4b: {  	_ =	shalt  }
0x4c: {  	_ =	shalt  }
0x4d: {  	_ =	shalt  }
0x4e: {  	_ =	shalt  }
0x4f: {  	_ =	shalt  }
0x50: {  	_ =	shalt  }
0x51: {  	_ =	shalt  }
0x52: {  	_ =	shalt  }
0x53: {  	_ =	shalt  }
0x54: {  	_ =	shalt  }
0x55: {  	_ =	shalt  }
0x56: {  	_ =	shalt  }
0x57: {  	_ =	shalt  }
0x58: {  	_ =	shalt  }
0x59: {  	_ =	shalt  }
0x5a: {  	_ =	shalt  }
0x5b: {  	_ =	shalt  }
0x5c: {  	_ =	shalt  }
0x5d: {  	_ =	shalt  }
0x5e: {  	_ =	shalt  }
0x5f: {  	_ =	shalt  }
0x60: {  	_ =	shalt  }
0x61: {  	_ =	shalt  }
0x62: {  	_ =	shalt  }
0x63: {  	_ =	shalt  }
0x64: {  	_ =	shalt  }
0x65: {  	_ =	shalt  }
0x66: {  	_ =	shalt  }
0x67: {  	_ =	shalt  }
0x68: {  	_ =	shalt  }
0x69: {  	_ =	shalt  }
0x6a: {  	_ =	shalt  }
0x6b: {  	_ =	shalt  }
0x6c: {  	_ =	shalt  }
0x6d: {  	_ =	shalt  }
0x6e: {  	_ =	shalt  }
0x6f: {  	_ =	shalt  }
0x70: {  	_ =	shalt  }
0x71: {  	_ =	shalt  }
0x72: {  	_ =	shalt  }
0x73: {  	_ =	shalt  }
0x74: {  	_ =	shalt  }
0x75: {  	_ =	shalt  }
0x76: {  	_ =	shalt  }
0x77: {  	_ =	shalt  }
0x78: {  	_ =	shalt  }
0x79: {  	_ =	shalt  }
0x7a: {  	_ =	shalt  }
0x7b: {  	_ =	shalt  }
0x7c: {  	_ =	shalt  }
0x7d: {  	_ =	shalt  }
0x7e: {  	_ =	shalt  }
0x7f: {  	_ =	shalt  }
0x80: {  	_ =	shalt  }
0x81: {  	_ =	shalt  }
0x82: {  	_ =	shalt  }
0x83: {  	_ =	shalt  }
0x84: {  	_ =	shalt  }
0x85: {  	_ =	shalt  }
0x86: {  	_ =	shalt  }
0x87: {  	_ =	shalt  }
.Lfunc_end0:
.L_simem_size_0:
called_computation_lowered:
.L_overlay_start_0:
0x88: {  	s2 =	sld [smem:$0x3FD9]  }
0x89: {  	s3 =	sld [smem:$0x3FFE];
	_ =	sdelay $0x1  }
0x8a: {  	s1 =	srdreg.scid  }
0x8b: {  	s0 =	sand.u32 $0x1, s1  }
0x8c: {  	s17 =	sshll.u32 s0, $0xA;
	s2 =	sadd.s32 s3, s2  }
0x8d: {  	s2 =	sadd.s32 s2, s17  }
0x8e: {  	[smem:$0x3FC5] =	sst s2  }
0x8f: {  	_ = 	snop  }
0x90: {  	s18 =	sld [smem:$0x3FC8];
	(tm) =	ssettm $0x1  }
0x91: {  	s19 =	sld [smem:$0x3FFB];
	_ =	sdelay $0x3  }
0x92: {  	_ =	strace s19  }
0x93: {  	s2 =	sld [smem:$0x3FFC];
	_ =	sdelay $0x3  }
0x94: {  	_ =	strace s2  }
0x95: {  	s2 =	sld [smem:$0x3FFD];
	_ =	sdelay $0x3  }
0x96: {  	_ =	strace s2  }
0x97: {  	_ =	strace $0x8FFFFFFF  }
0x98: {  	s20 =	sld [smem:$0x3FDB];
	_ =	sdelay $0x1  }
0x99: {  	s4 =	simm.s32 $_scs_section_size  }
0x9a: {  	s5 =	simm.s32 $_size__tile_overlayer_lowered;
	s6 =	simm.s32 $_tile_overlayer_lowered  }
0x9b: {  	s7 =	simm.s32 $0x1BFF;
	s21 =	sshll.u32 s6, $0x1;
	s4 =	sadd.s32 s4, s20  }
0x9c: {  	s22 =	simm.s32 $0x0;
	s5 =	sshll.u32 s5, $0x1;
	s6 =	sadd.s32 s21, s4  }
0x9d: {  	[timem:s22], [sflag:s7] =	dma.local [hbm:s6], s5  }
0x9e: {  	_ =	swait.ge [sflag:s7], s5  }
0x9f: {  	s5 =	ssub.s32 $0x0, s5;
	[sflag:s7] =	ssyncset.done $0x0  }
0xa0: {  	[sflag:s7] =	ssyncadd.s32 s5;
	_ =	sdelay $0x1  }
0xa1: {  	s23 =	simm.s32 $0x1B8B  }
0xa2: {  	_ =	swait.ge [sflag:s23], $0x1  }
0xa3: {  	[sflag:s23] =	ssyncset.done $0x0  }
0xa4: {  	[sflag:s23] =	ssyncadd.s32 $0xFFFFFFFF  }
0xa5: {  	s5 =	sld [smem:$0x0]  }
0xa6: {  	s6 =	sand.u32 $0xFFFFFFFE, s1  }
0xa7: {  	p0 =	sne.s32 s1, s6  }
0xa8: {  	s6 =	sshll.u32 @p0 s6, $0xE  }
0xa9: {  	s6 =	sadd.s32 @p0 $0x11B8D, s6;
	s7 =	sshll.u32 @p0 s5, $0x11  }
0xaa: {  	s6 =	sor.u32 @p0 s7, s6  }
0xab: {  	[sflag:s6] =	ssyncadd.remote.s32 @p0 $0x1;
	_ =	sdelay $0x1  }
0xac: {  	s6 =	simm.s32 @p0 $0x1B8D  }
0xad: {  	_ =	swait.eq @p0 [sflag:s6], $0x1  }
0xae: {  	[sflag:s6] =	ssyncadd.s32 @p0 $0xFFFFFFFF  }
0xaf: {  	s7 =	sshll.u32 @!p0 s1, $0xE  }
0xb0: {  	s7 =	sor.u32 @!p0 $0x4000, s7;
	s6 =	simm.s32 @!p0 $0x1B8D  }
0xb1: {  	s5 =	sshll.u32 @!p0 s5, $0x11;
	s7 =	sadd.s32 @!p0 $0x11B8D, s7;
	_ =	swait.eq @!p0 [sflag:s6], $0x1  }
0xb2: {  	s5 =	sor.u32 @!p0 s5, s7;
	[sflag:s6] =	ssyncadd.s32 @!p0 $0xFFFFFFFF  }
0xb3: {  	s25 =	simm.s32 $0x1B8E;
	s24 =	sld [smem:$0x3FFE];
	[sflag:s5] =	ssyncadd.remote.s32 @!p0 $0x1  }
0xb4: {  	s26 =	simm.s32 $execute0_lowered;
	[smem:$0x3FD2] =	sst s25  }
0xb5: {  	s6 =	sshll.u32 s26, $0x1;
	_ =	strace $0x80000049;
	[dreg:$0x1] =	wrdreg $0xFFFFFFFF  }
0xb6: {  	s28 =	simm.s32 $_size_execute0_lowered;
	s4 =	sadd.s32 s4, s6;
	[dreg:$0x0] =	wrdreg $0x0  }
0xb7: {  	s6 =	sshll.u32 s28, $0x1;
	[dreg:$0x2] =	wrdreg s4  }
0xb8: {  	[dreg:$0x3] =	wrdreg s6  }
0xb9: {  	[dreg:$0x4] =	wrdreg $0xC0  }
0xba: {  	_ =	task [dreg:s22], $0x5FFFF  }
0xbb: {  	[dreg:$0x1] =	wrdreg $0xFFFFFFFF  }
0xbc: {  	[dreg:$0x0] =	wrdreg $0x60  }
0xbd: {  	[dreg:$0x2] =	wrdreg s18  }
0xbe: {  	[dreg:$0x3] =	wrdreg s24  }
0xbf: {  	[dreg:$0x4] =	wrdreg $0x9  }
0xc0: {  	_ =	task.clear_ibuf [dreg:s22], $0x5FFFF;
	_ =	strace $0x90000049  }
0xc1: {  	s29 =	simm.s32 $0x9;
	_ =	strace $0x8000004B  }
0xc2: {  	_ =	swait.ge [sflag:s29], $0x1  }
0xc3: {  	[sflag:s29] =	ssyncadd.s32 $0xFFFFFFFF  }
0xc4: {  	_ =	strace $0x9000004B  }
0xc5: {  	_ =	sfence  }
0xc6: {  	s30 =	sld [smem:$0x0];
	_ =	sdelay $0x2  }
0xc7: {  	s31 =	sshll.u32 s1, $0xD;
	s1 =	sshrl.u32 s1, $0x2  }
0xc8: {  	s4 =	sand.u32 $0x4000, s31;
	s1 =	sadd.s32 s1, s30  }
0xc9: {  	s0 =	sor.u32 s4, s0;
	s1 =	sshll.u32 s1, $0x11  }
0xca: {  	s0 =	sor.u32 s1, s0  }
0xcb: {  	s0 =	sadd.s32 $0x8F2B, s0  }
0xcc: {  	[sflag:s0] =	ssyncadd.remote.s32 $0x1  }
0xcd: {  	_ =	sfence.sel $0xFFFF  }
0xce: {  	[dreg:$0x0] =	wrdreg $0xFFFFFFFF;
	(pc) =	sbr.abs _section_cstart, $3  }
0xcf: {  	[dreg:$0x1] =	wrdreg $0xFFFFFFFF  }
0xd0: {  	_ =	task.clear_ibuf [dreg:s22], $0x2FFFF;
	_ =	strace $0x9FFFFFFF  }
0xd1: {  	(tm) =	ssettm $0x7FFFFFFF  }
tec
execute0_lowered:
.L_overlay_start_1:
0x0: {  	(tag) =	ssettag $0x1  }
0x1: {  	s4 =	rddreg [dreg:$0x0]  }
0x2: {  	s3 =	rddreg [dreg:$0x1]  }
0x3: {  	s0 =	rddreg [dreg:$0x2];
	s2 =	simm.s32 $0x0  }
0x4: {  	s1 =	stileid.u32;
	s5 =	srdreg.scid;
	s11 =	simm.s32 $0x0  }
0x5: {  	[smem:$0x7FF] =	sst s2;
	s5 =	sand.u32 $0x1, s5;
	s7 =	sshll.u32 s1, $0x1  }
0x6: {  	s6 =	sshll.u32 s1, $0x9;
	_ =	strace $0x8000004A;
	s7 =	sor.u32 s5, s7  }
0x7: {  	s6 =	sand.u32 $0x1800, s6;
	s5 =	ssub.s32 $0x2, s5;
	s8 =	smul.u32 $0xF42, s7  }
0x8: {  	s9 =	sshll.u32 s7, $0x4;
	s6 =	sadd.s32 s6, s3;
	s30 =	sshrl.u32 s5, $0x1  }
0x9: {  	p0 =	sne.s32 s7, $0x1F;
	s7 =	simm.s32 $0x1;
	s9 =	sand.u32 $0x70, s9  }
0xa: {  	s10 =	ssub.s32 s5, s30;
	s3 =	sadd.s32 s4, s8;
	s31 =	sadd.s32 s9, s6  }
0xb: {  	v1 =	vlaneseq.u32;
	s4 =	sadd.s32 $0x1E840, s4;
	s6 =	smax.u32 s10, $0x1;
	s8 =	simm.s32 $0x7A80  }
0xc: {  	v0 =	vimm.s32 $0x0;
	v2 =	vimm.s32 $0x1;
	v1 =	vmul.u32 $0x80, v1;
	s9 =	simm.s32 $0x80;
	s10 =	simm.s32 $0x400;
	s5 =	sadd.s32 $0x21C00, s31  }
.LBB2_1:
0xd: {  	s12 =	simm.s32 $0x40;
	s13 =	simm.s32 $0x0  }
.LBB2_2:
0xe: {  	p1 =	sne.s32 s12, $0x1FC0;
	[tilespmem:s13+$0x7A80] =	vst v0;
	s13 =	smov.u32 s12;
	s12 =	sadd.s32 $0x40, s12  }
.Ltmp0:
0xf: {  	(pc) =	sbr.rel @p1 .LBB2_2-.Ltmp0, $2  }
0x10: {  	_ =	sdelay $0x2  }
0x11: {  	s13 =	sshra.s32 s13, $0x2  }
0x12: {  	[tilespmem:s13+$0x7A80] =	vst v0  }
0x13: {  	[tilespmem:s2], [sflag:$0x1] =	stream.linear.gather [hbm4b:s3+s2], $0x7A10, $0x38;
	[tilespmem:$0x8280] =	vst v63  }
0x14: {  	_ =	swait.ge [sflag:s7], $0x7A10  }
0x15: {  	[sflag:s7] =	ssyncset.done $0x0  }
0x16: {  	s12 =	simm.s32 @!p0 $0x0;
	s13 =	simm.s32 @!p0 $0x7A10;
	[sflag:s7] =	ssyncadd.s32 $0xFFFF85F0  }
0x17: {  	[tilespmem:s13], [sflag:$0x1] =	stream.linear.gather @!p0 [hbm4b:s4+s12], $0x40, $0x38;
	[tilespmem:$0x8280] =	vst v63  }
0x18: {  	s12 =	simm.s32 @!p0 $0x1  }
0x19: {  	_ =	swait.ge @!p0 [sflag:s12], $0x40  }
0x1a: {  	[sflag:s12] =	ssyncset.done @!p0 $0x0  }
0x1b: {  	s13 =	simm.s32 $0x0;
	[sflag:s12] =	ssyncadd.s32 @!p0 $0xFFFFFFC0;
	s12 =	simm.s32 $0x40  }
.LBB2_4:
0x1c: {  	p1 =	sne.s32 s12, $0x1E800;
	v3 =	vld [tilespmem:s13+$0x0];
	_ =	sdelay $0x4  }
0x1d: {  	v3 =	vadd.s32 v1, v3  }
.Ltmp1:
0x1e: {  	(pc) =	sbr.rel @p1 .LBB2_4-.Ltmp1, $2  }
0x1f: {  	_ =	sdelay $0x2  }
0x20: {  	s13 =	sshra.s32 s12, $0x2;
	s12 =	sadd.s32 $0x40, s12;
	[tilespmem:v3+s8+$0x0] =	vst.idx.add.s32.msk $0xffff, v2  }
0x21: {  	v3 =	vld [tilespmem:s13+$0x0];
	_ =	sdelay $0x4  }
0x22: {  	v3 =	vadd.s32 v1, v3;
	_ =	sdelay $0x4  }
0x23: {  	[tilespmem:v3+s8+$0x0] =	vst.idx.add.s32.msk $0xffff, v2  }
0x24: {  	v3 =	vld @!p0 [tilespmem:$0x7A10];
	_ =	sdelay $0x1  }
0x25: {  	v4 =	vlaneseq.u32 @!p0  }
0x26: {  	v4 =	vmul.u32 @!p0 $0x80, v4;
	_ =	sdelay $0x1  }
0x27: {  	v3 =	vadd.s32 @!p0 v4, v3;
	_ =	sdelay $0x3  }
0x28: {  	v5 =	vimm.s32 @!p0 $0x1;
	s12 =	simm.s32 @!p0 $0x7A80  }
0x29: {  	[tilespmem:v3+s12+$0x0] =	vst.idx.add.s32.msk @!p0 $0xffff, v5  }
0x2a: {  	v3 =	vld @!p0 [tilespmem:$0x7A20];
	_ =	sdelay $0x4  }
0x2b: {  	v3 =	vadd.s32 @!p0 v4, v3;
	_ =	sdelay $0x4  }
0x2c: {  	[tilespmem:v3+s12+$0x0] =	vst.idx.add.s32.msk @!p0 $0xffff, v5  }
0x2d: {  	v3 =	vld @!p0 [tilespmem:$0x7A30];
	_ =	sdelay $0x4  }
0x2e: {  	v3 =	vadd.s32 @!p0 v4, v3;
	_ =	sdelay $0x4  }
0x2f: {  	[tilespmem:v3+s12+$0x0] =	vst.idx.add.s32.msk @!p0 $0xffff, v5  }
0x30: {  	v3 =	vld @!p0 [tilespmem:$0x7A40];
	_ =	sdelay $0x4  }
0x31: {  	v3 =	vadd.s32 @!p0 v4, v3;
	_ =	sdelay $0x2  }
0x32: {  	s11 =	sadd.s32 $0x1, s11  }
0x33: {  	p1 =	sne.s32 s11, s6  }
.Ltmp2:
0x34: {  	[tilespmem:v3+s12+$0x0] =	vst.idx.add.s32.msk @!p0 $0xffff, v5;
	(pc) =	sbr.rel @p1 .LBB2_1-.Ltmp2, $4  }
0x35: {  	[hbm4b:s5+s9] =	stream.strided.scatter [tilespmem:s8], [sflag:$0x1], $0x800, s10, s9, $0x38;
	[tilespmem:$0x8280] =	vst v63  }
0x36: {  	_ =	swait.ge [sflag:s7], $0x800  }
0x37: {  	[sflag:s7] =	ssyncset.done $0x0  }
0x38: {  	[sflag:s7] =	ssyncadd.s32 $0xFFFFF800  }
0x39: {  	_ =	sfence.sel $0x180000  }
0x3a: {  	[bflag:$0x0] =	sbarrier.arrive $0xFFFF  }
0x3b: {  	p0 =	sne.s32 s1, $0x0;
	_ =	strace $0x9000004A  }
0x3c: {  	s0 =	sadd.s32 @!p0 $0x100000, s0;
	[bflag:$0x2] =	sbarrier.arrive $0xFFFF  }
0x3d: {  	[sflag:s0] =	ssyncadd.tile.s32 @!p0 $0x1;
	_ =	shalt  }
.Lfunc_end2:
_tile_overlayer_lowered:
.L_overlay_start_2:
0x3e: {  	(tag) =	ssettag $0x2  }
0x3f: {  	s0 =	rddreg [dreg:$0x0];
	s2 =	stileid.u32  }
0x40: {  	s1 =	rddreg [dreg:$0x1];
	p0 =	sne.s32 s2, $0x0  }
0x41: {  	s3 =	rddreg [dreg:$0x2];
	[bflag:$0x3] =	sbarrier.arrive $0xFFFF;
	s2 =	simm.s32 @!p0 $0x1C01  }
0x42: {  	[timem:s3], [sflag:s2] =	dma.local @!p0 [hbm:s0], s1  }
0x43: {  	s0 =	simm.s32 @!p0 $0x1  }
0x44: {  	_ =	swait.ge @!p0 [sflag:s0], s1  }
0x45: {  	s1 =	ssub.s32 @!p0 $0x0, s1;
	[sflag:s0] =	ssyncset.done @!p0 $0x0  }
0x46: {  	[sflag:s0] =	ssyncadd.s32 @!p0 s1  }
0x47: {  	[bflag:$0x3] =	sbarrier.arrive $0xFFFF  }
0x48: {  	_ =	shalt  }

// kernel: kernel.9.cloned.1.call-start
scs
__scs_entry_jumppad:
0x0: {  	(pc) =	sbr.rel $0x88, $3  }
0x1: {  	(tag) =	ssettag $0x0;
	lr =	simm.s32 $0x1  }
0x2: {  	[smem:$0x3F9E] =	sst lr;
	_ =	strace $0xD0000000  }
0x3: {  	_ = 	snop  }
0x4: {  	_ = 	snop  }
0x5: {  	_ = 	snop  }
0x6: {  	_ = 	snop  }
0x7: {  	_ = 	snop  }
__scs_overlays_trampoline_lowered:
0x8: {  	[smem:$0x3FAD] =	sst s0  }
0x9: {  	[smem:$0x3FAE] =	sst s1  }
0xa: {  	[smem:$0x3FAF] =	sst s2  }
0xb: {  	[smem:$0x3FB0] =	sst s3  }
0xc: {  	[smem:$0x3FB1] =	sst s4  }
0xd: {  	[smem:$0x3FB2] =	sst s5  }
0xe: {  	[smem:$0x3FB3] =	sst s6  }
0xf: {  	[smem:$0x3FB4] =	sst s7  }
0x10: {  	[smem:$0x3FB5] =	sst s8  }
0x11: {  	[smem:$0x3FB6] =	sst s9;
	s0 =	simm.s32 @!p0 $0x0  }
0x12: {  	s1 =	sld [smem:$0x3F9C];
	s0 =	simm.s32 @p0 $0x1  }
0x13: {  	[smem:$0x3FB7] =	sst s0;
	s0 =	simm.s32 @!p1 $0x0  }
0x14: {  	s2 =	sld [smem:$0x3F9B];
	s0 =	simm.s32 @p1 $0x1  }
0x15: {  	[smem:$0x3FB8] =	sst s0;
	s0 =	simm.s32 @!p2 $0x0  }
0x16: {  	s3 =	sld [smem:$0x3FDB];
	s0 =	simm.s32 @p2 $0x1  }
0x17: {  	s4 =	simm.s32 $0x1BF5;
	[smem:$0x3FBA] =	sst s0  }
0x18: {  	s0 =	sld [smem:$0x3F9D];
	_ =	swait.ge [sflag:s4], $0x0  }
0x19: {  	s7 =	sld [smem:$0x3F9E]  }
0x1a: {  	s8 =	sadd.s32 $0xFFFFE003, lr  }
0x1b: {  	s9 =	sadd.s32 $0xFFFFFEF7, lr;
	s5 =	simm.s32 $0xFFFFFFFF;
	p2 =	slt.u32 s8, $0xFFFFF086  }
0x1c: {  	p1 =	slt.u32 s9, $0xF7A;
	s5 =	simm.s32 @!p2 $0x0  }
0x1d: {  	s5 =	simm.s32 @p1 $0x1;
	p0 =	seq.s32 s7, s2  }
0x1e: {  	s7 =	smul.u32 @!p0 $0xF7A, s2;
	p2 =	seq.s32 @!p0 s5, $0x0  }
0x1f: {  	s9 =	smul.u32 $0xF7A, s1;
	s8 =	simm.s32 @!p0 $0x1BF5;
	p2 =	por !p2, p0  }
0x20: {  	[sflag:s8] =	ssyncset.s32 @!p0 $0xFFFFF086;
	s6 =	sadd.s32 @!p0 s3, s7;
	s7 =	simm.s32 @!p0 $0x108  }
0x21: {  	s3 =	sadd.s32 s3, s9;
	s6 =	sadd.s32 @!p0 $0x88, s6;
	s7 =	simm.s32 @p2 $0x1082  }
0x22: {  	[simem:s7], [sflag:s8] =	dma.local @!p0 [hbm:s6], $0xF7A  }
0x23: {  	s9 =	sor.u32 $0xD0000000, s2;
	s6 =	simm.s32 $0x108;
	_ =	swait.ge @!p0 [sflag:s8], $0x0  }
0x24: {  	s3 =	sadd.s32 $0x88, s3;
	s6 =	simm.s32 @!p1 $0x1082;
	[sflag:s4] =	ssyncset.s32 $0xFFFFF086  }
0x25: {  	[simem:s6], [sflag:s4] =	dma.local [hbm:s3], $0xF7A  }
0x26: {  	[smem:$0x3F9E] =	sst s1;
	(tag) =	ssettag s2;
	_ =	strace s9  }
0x27: {  	s1 =	sld [smem:$0x3FAE]  }
0x28: {  	s2 =	sld [smem:$0x3FAF]  }
0x29: {  	s4 =	sld [smem:$0x3FB1]  }
0x2a: {  	p0 =	seq.s32 s5, $0x0;
	s5 =	sld [smem:$0x3FB2]  }
0x2b: {  	s6 =	sld [smem:$0x3FB3]  }
0x2c: {  	s7 =	sld [smem:$0x3FB4]  }
0x2d: {  	s3 =	simm.s32 $0x108;
	s8 =	sld [smem:$0x3FB5]  }
0x2e: {  	s3 =	simm.s32 @!p0 $0x1082;
	s9 =	sld [smem:$0x3FB6]  }
0x2f: {  	lr =	sadd.s32 s0, s3;
	s0 =	sld [smem:$0x3FAD]  }
0x30: {  	s3 =	sld [smem:$0x3FB0]  }
0x31: {  	[smem:$0x3FB9] =	sst s10  }
0x32: {  	s10 =	sld [smem:$0x3FB7];
	_ =	sdelay $0x3  }
0x33: {  	p0 =	seq.s32 s10, $0x1;
	s10 =	sld [smem:$0x3FB9];
	_ =	sdelay $0x3  }
0x34: {  	[smem:$0x3FB9] =	sst s10  }
0x35: {  	s10 =	sld [smem:$0x3FB8];
	_ =	sdelay $0x3  }
0x36: {  	p1 =	seq.s32 s10, $0x1;
	s10 =	sld [smem:$0x3FB9];
	_ =	sdelay $0x3  }
0x37: {  	[smem:$0x3FB9] =	sst s10  }
0x38: {  	s10 =	sld [smem:$0x3FBA]  }
0x39: {  	_ = 	snop;
	(pc) =	sbr.ind lr, $3  }
0x3a: {  	_ = 	snop  }
0x3b: {  	_ = 	snop  }
0x3c: {  	p2 =	seq.s32 s10, $0x1;
	s10 =	sld [smem:$0x3FB9]  }
0x3d: {  	_ =	shalt  }
0x3e: {  	_ =	shalt  }
0x3f: {  	_ =	shalt  }
0x40: {  	_ =	shalt  }
0x41: {  	_ =	shalt  }
0x42: {  	_ =	shalt  }
0x43: {  	_ =	shalt  }
0x44: {  	_ =	shalt  }
0x45: {  	_ =	shalt  }
0x46: {  	_ =	shalt  }
0x47: {  	_ =	shalt  }
0x48: {  	_ =	shalt  }
0x49: {  	_ =	shalt  }
0x4a: {  	_ =	shalt  }
0x4b: {  	_ =	shalt  }
0x4c: {  	_ =	shalt  }
0x4d: {  	_ =	shalt  }
0x4e: {  	_ =	shalt  }
0x4f: {  	_ =	shalt  }
0x50: {  	_ =	shalt  }
0x51: {  	_ =	shalt  }
0x52: {  	_ =	shalt  }
0x53: {  	_ =	shalt  }
0x54: {  	_ =	shalt  }
0x55: {  	_ =	shalt  }
0x56: {  	_ =	shalt  }
0x57: {  	_ =	shalt  }
0x58: {  	_ =	shalt  }
0x59: {  	_ =	shalt  }
0x5a: {  	_ =	shalt  }
0x5b: {  	_ =	shalt  }
0x5c: {  	_ =	shalt  }
0x5d: {  	_ =	shalt  }
0x5e: {  	_ =	shalt  }
0x5f: {  	_ =	shalt  }
0x60: {  	_ =	shalt  }
0x61: {  	_ =	shalt  }
0x62: {  	_ =	shalt  }
0x63: {  	_ =	shalt  }
0x64: {  	_ =	shalt  }
0x65: {  	_ =	shalt  }
0x66: {  	_ =	shalt  }
0x67: {  	_ =	shalt  }
0x68: {  	_ =	shalt  }
0x69: {  	_ =	shalt  }
0x6a: {  	_ =	shalt  }
0x6b: {  	_ =	shalt  }
0x6c: {  	_ =	shalt  }
0x6d: {  	_ =	shalt  }
0x6e: {  	_ =	shalt  }
0x6f: {  	_ =	shalt  }
0x70: {  	_ =	shalt  }
0x71: {  	_ =	shalt  }
0x72: {  	_ =	shalt  }
0x73: {  	_ =	shalt  }
0x74: {  	_ =	shalt  }
0x75: {  	_ =	shalt  }
0x76: {  	_ =	shalt  }
0x77: {  	_ =	shalt  }
0x78: {  	_ =	shalt  }
0x79: {  	_ =	shalt  }
0x7a: {  	_ =	shalt  }
0x7b: {  	_ =	shalt  }
0x7c: {  	_ =	shalt  }
0x7d: {  	_ =	shalt  }
0x7e: {  	_ =	shalt  }
0x7f: {  	_ =	shalt  }
0x80: {  	_ =	shalt  }
0x81: {  	_ =	shalt  }
0x82: {  	_ =	shalt  }
0x83: {  	_ =	shalt  }
0x84: {  	_ =	shalt  }
0x85: {  	_ =	shalt  }
0x86: {  	_ =	shalt  }
0x87: {  	_ =	shalt  }
.Lfunc_end0:
.L_simem_size_0:
called_computation.1_lowered:
.L_overlay_start_0:
0x88: {  	s2 =	sld [smem:$0x3FD9]  }
0x89: {  	s3 =	sld [smem:$0x3FFE];
	_ =	sdelay $0x1  }
0x8a: {  	s1 =	srdreg.scid  }
0x8b: {  	s0 =	sand.u32 $0x1, s1  }
0x8c: {  	s16 =	sshll.u32 s0, $0xA;
	s2 =	sadd.s32 s3, s2  }
0x8d: {  	s2 =	sadd.s32 s2, s16  }
0x8e: {  	[smem:$0x3FC5] =	sst s2  }
0x8f: {  	_ = 	snop  }
0x90: {  	(tm) =	ssettm $0x1  }
0x91: {  	s17 =	sld [smem:$0x3FFB];
	_ =	sdelay $0x3  }
0x92: {  	_ =	strace s17  }
0x93: {  	s2 =	sld [smem:$0x3FFC];
	_ =	sdelay $0x3  }
0x94: {  	_ =	strace s2  }
0x95: {  	s2 =	sld [smem:$0x3FFD];
	_ =	sdelay $0x3  }
0x96: {  	_ =	strace s2  }
0x97: {  	_ =	strace $0x8FFFFFFF  }
0x98: {  	s18 =	sld [smem:$0x3FDB];
	_ =	sdelay $0x1  }
0x99: {  	s19 =	simm.s32 $_scs_section_size  }
0x9a: {  	s4 =	simm.s32 $_size__tile_overlayer_lowered;
	s5 =	simm.s32 $_tile_overlayer_lowered  }
0x9b: {  	s22 =	simm.s32 $0x1BFF;
	s21 =	sshll.u32 s5, $0x1;
	s2 =	sadd.s32 s19, s18  }
0x9c: {  	s6 =	simm.s32 $0x0;
	s20 =	sshll.u32 s4, $0x1;
	s4 =	sadd.s32 s21, s2  }
0x9d: {  	[timem:s6], [sflag:s22] =	dma.local [hbm:s4], s20  }
0x9e: {  	_ =	swait.ge [sflag:s22], s20  }
0x9f: {  	s3 =	ssub.s32 $0x0, s20;
	[sflag:s22] =	ssyncset.done $0x0  }
0xa0: {  	[sflag:s22] =	ssyncadd.s32 s3;
	_ =	sdelay $0x1  }
0xa1: {  	s23 =	simm.s32 $0x1B8B  }
0xa2: {  	_ =	swait.ge [sflag:s23], $0x1  }
0xa3: {  	[sflag:s23] =	ssyncset.done $0x0  }
0xa4: {  	s25 =	simm.s32 $0x1B8E;
	s24 =	sld [smem:$0x3FFE];
	[sflag:s23] =	ssyncadd.s32 $0xFFFFFFFF  }
0xa5: {  	s26 =	simm.s32 $execute0_lowered;
	[smem:$0x3FD2] =	sst s25  }
0xa6: {  	s4 =	sshll.u32 s26, $0x1;
	_ =	strace $0x80000046;
	[dreg:$0x1] =	wrdreg $0xFFFFFFFF  }
0xa7: {  	s28 =	simm.s32 $_size_execute0_lowered;
	s2 =	sadd.s32 s2, s4;
	[dreg:$0x0] =	wrdreg $0x0  }
0xa8: {  	s4 =	sshll.u32 s28, $0x1;
	[dreg:$0x2] =	wrdreg s2  }
0xa9: {  	[dreg:$0x3] =	wrdreg s4  }
0xaa: {  	[dreg:$0x4] =	wrdreg $0xC0  }
0xab: {  	_ =	task [dreg:s6], $0x5FFFF  }
0xac: {  	[dreg:$0x1] =	wrdreg $0xFFFFFFFF  }
0xad: {  	[dreg:$0x0] =	wrdreg $0x60  }
0xae: {  	[dreg:$0x2] =	wrdreg s24  }
0xaf: {  	[dreg:$0x3] =	wrdreg $0xA  }
0xb0: {  	_ =	task.clear_ibuf [dreg:s6], $0x4FFFF;
	_ =	strace $0x90000046  }
0xb1: {  	s29 =	simm.s32 $0xA;
	_ =	strace $0x80000048  }
0xb2: {  	_ =	swait.ge [sflag:s29], $0x1  }
0xb3: {  	[sflag:s29] =	ssyncadd.s32 $0xFFFFFFFF  }
0xb4: {  	_ =	strace $0x90000048  }
0xb5: {  	_ =	sfence  }
0xb6: {  	s30 =	sld [smem:$0x0];
	_ =	sdelay $0x2  }
0xb7: {  	s31 =	sshll.u32 s1, $0xD;
	s1 =	sshrl.u32 s1, $0x2  }
0xb8: {  	s3 =	sand.u32 $0x4000, s31;
	s1 =	sadd.s32 s1, s30  }
0xb9: {  	s0 =	sor.u32 s3, s0;
	s1 =	sshll.u32 s1, $0x11  }
0xba: {  	s0 =	sor.u32 s1, s0  }
0xbb: {  	s0 =	sadd.s32 $0x8F2B, s0  }
0xbc: {  	[sflag:s0] =	ssyncadd.remote.s32 $0x1  }
0xbd: {  	_ =	sfence.sel $0xFFFF  }
0xbe: {  	[dreg:$0x0] =	wrdreg $0xFFFFFFFF;
	(pc) =	sbr.abs _section_cstart, $3  }
0xbf: {  	[dreg:$0x1] =	wrdreg $0xFFFFFFFF  }
0xc0: {  	_ =	task.clear_ibuf [dreg:s6], $0x2FFFF;
	_ =	strace $0x9FFFFFFF  }
0xc1: {  	(tm) =	ssettm $0x7FFFFFFF  }
tec
execute0_lowered:
.L_overlay_start_1:
0x0: {  	(tag) =	ssettag $0x1  }
0x1: {  	s1 =	srdreg.scid  }
0x2: {  	s0 =	stileid.u32;
	s4 =	rddreg [dreg:$0x0];
	s2 =	simm.s32 $0x0  }
0x3: {  	s10 =	simm.s32 $0x400;
	s3 =	sand.u32 $0x1, s1;
	s1 =	rddreg [dreg:$0x1]  }
0x4: {  	s11 =	simm.s32 $0x0;
	s30 =	sshll.u32 s0, $0x1;
	[smem:$0x7FF] =	sst s2  }
0x5: {  	s6 =	sshll.u32 s0, $0x9;
	s7 =	sor.u32 s3, s30;
	_ =	strace $0x80000047  }
0x6: {  	s6 =	sand.u32 $0x1800, s6;
	s3 =	ssub.s32 $0x2, s3;
	s5 =	smul.u32 $0xF42, s7  }
0x7: {  	s8 =	sshll.u32 s7, $0x4;
	s6 =	sadd.s32 s6, s4;
	s9 =	sshrl.u32 s3, $0x1  }
0x8: {  	p0 =	sne.s32 s7, $0x1F;
	s7 =	simm.s32 $0x1;
	s8 =	sand.u32 $0x70, s8  }
0x9: {  	s9 =	ssub.s32 s3, s9;
	s5 =	sadd.s32 s5, s4;
	s31 =	sadd.s32 s8, s6  }
0xa: {  	v1 =	vlaneseq.u32;
	s4 =	sadd.s32 $0x1FA40, s4;
	s6 =	smax.u32 s9, $0x1;
	s8 =	simm.s32 $0x7A80  }
0xb: {  	v0 =	vimm.s32 $0x0;
	v2 =	vimm.s32 $0x1;
	v1 =	vmul.u32 $0x80, v1;
	s9 =	simm.s32 $0x80;
	s3 =	sadd.s32 $0x1200, s5;
	s5 =	sadd.s32 $0x1FC00, s31  }
.LBB2_1:
0xc: {  	s12 =	simm.s32 $0x40;
	s13 =	simm.s32 $0x0  }
.LBB2_2:
0xd: {  	p1 =	sne.s32 s12, $0x1FC0;
	[tilespmem:s13+$0x7A80] =	vst v0;
	s13 =	smov.u32 s12;
	s12 =	sadd.s32 $0x40, s12  }
.Ltmp0:
0xe: {  	(pc) =	sbr.rel @p1 .LBB2_2-.Ltmp0, $2  }
0xf: {  	_ =	sdelay $0x2  }
0x10: {  	s13 =	sshra.s32 s13, $0x2  }
0x11: {  	[tilespmem:s13+$0x7A80] =	vst v0  }
0x12: {  	[tilespmem:s2], [sflag:$0x1] =	stream.linear.gather [hbm4b:s3+s2], $0x7A10, $0x38;
	[tilespmem:$0x8280] =	vst v63  }
0x13: {  	_ =	swait.ge [sflag:s7], $0x7A10  }
0x14: {  	[sflag:s7] =	ssyncset.done $0x0  }
0x15: {  	s12 =	simm.s32 @!p0 $0x0;
	s13 =	simm.s32 @!p0 $0x7A10;
	[sflag:s7] =	ssyncadd.s32 $0xFFFF85F0  }
0x16: {  	[tilespmem:s13], [sflag:$0x1] =	stream.linear.gather @!p0 [hbm4b:s4+s12], $0x40, $0x38;
	[tilespmem:$0x8280] =	vst v63  }
0x17: {  	s12 =	simm.s32 @!p0 $0x1  }
0x18: {  	_ =	swait.ge @!p0 [sflag:s12], $0x40  }
0x19: {  	[sflag:s12] =	ssyncset.done @!p0 $0x0  }
0x1a: {  	s13 =	simm.s32 $0x0;
	[sflag:s12] =	ssyncadd.s32 @!p0 $0xFFFFFFC0;
	s12 =	simm.s32 $0x40  }
.LBB2_4:
0x1b: {  	p1 =	sne.s32 s12, $0x1E800;
	v3 =	vld [tilespmem:s13+$0x0];
	_ =	sdelay $0x4  }
0x1c: {  	v3 =	vadd.s32 v1, v3  }
.Ltmp1:
0x1d: {  	(pc) =	sbr.rel @p1 .LBB2_4-.Ltmp1, $2  }
0x1e: {  	_ =	sdelay $0x2  }
0x1f: {  	s13 =	sshra.s32 s12, $0x2;
	s12 =	sadd.s32 $0x40, s12;
	[tilespmem:v3+s8+$0x0] =	vst.idx.add.s32.msk $0xffff, v2  }
0x20: {  	v3 =	vld [tilespmem:s13+$0x0];
	_ =	sdelay $0x4  }
0x21: {  	v3 =	vadd.s32 v1, v3;
	_ =	sdelay $0x4  }
0x22: {  	[tilespmem:v3+s8+$0x0] =	vst.idx.add.s32.msk $0xffff, v2  }
0x23: {  	v3 =	vld @!p0 [tilespmem:$0x7A10];
	_ =	sdelay $0x1  }
0x24: {  	v4 =	vlaneseq.u32 @!p0  }
0x25: {  	v4 =	vmul.u32 @!p0 $0x80, v4;
	_ =	sdelay $0x1  }
0x26: {  	v3 =	vadd.s32 @!p0 v4, v3;
	_ =	sdelay $0x3  }
0x27: {  	v5 =	vimm.s32 @!p0 $0x1;
	s12 =	simm.s32 @!p0 $0x7A80  }
0x28: {  	[tilespmem:v3+s12+$0x0] =	vst.idx.add.s32.msk @!p0 $0xffff, v5  }
0x29: {  	v3 =	vld @!p0 [tilespmem:$0x7A20];
	_ =	sdelay $0x4  }
0x2a: {  	v3 =	vadd.s32 @!p0 v4, v3;
	_ =	sdelay $0x4  }
0x2b: {  	[tilespmem:v3+s12+$0x0] =	vst.idx.add.s32.msk @!p0 $0xffff, v5  }
0x2c: {  	v3 =	vld @!p0 [tilespmem:$0x7A30];
	_ =	sdelay $0x4  }
0x2d: {  	v3 =	vadd.s32 @!p0 v4, v3;
	_ =	sdelay $0x4  }
0x2e: {  	[tilespmem:v3+s12+$0x0] =	vst.idx.add.s32.msk @!p0 $0xffff, v5  }
0x2f: {  	v3 =	vld @!p0 [tilespmem:$0x7A40];
	_ =	sdelay $0x4  }
0x30: {  	v3 =	vadd.s32 @!p0 v4, v3;
	_ =	sdelay $0x2  }
0x31: {  	s11 =	sadd.s32 $0x1, s11  }
0x32: {  	p1 =	sne.s32 s11, s6  }
.Ltmp2:
0x33: {  	[tilespmem:v3+s12+$0x0] =	vst.idx.add.s32.msk @!p0 $0xffff, v5;
	(pc) =	sbr.rel @p1 .LBB2_1-.Ltmp2, $4  }
0x34: {  	[hbm4b:s5+s9] =	stream.strided.scatter [tilespmem:s8], [sflag:$0x1], $0x800, s10, s9, $0x38;
	[tilespmem:$0x8280] =	vst v63  }
0x35: {  	_ =	swait.ge [sflag:s7], $0x800  }
0x36: {  	[sflag:s7] =	ssyncset.done $0x0  }
0x37: {  	[sflag:s7] =	ssyncadd.s32 $0xFFFFF800  }
0x38: {  	_ =	sfence.sel $0x180000  }
0x39: {  	[bflag:$0x0] =	sbarrier.arrive $0xFFFF  }
0x3a: {  	p0 =	sne.s32 s0, $0x0;
	_ =	strace $0x90000047  }
0x3b: {  	s0 =	sadd.s32 @!p0 $0x100000, s1;
	[bflag:$0x2] =	sbarrier.arrive $0xFFFF  }
0x3c: {  	[sflag:s0] =	ssyncadd.tile.s32 @!p0 $0x1;
	_ =	shalt  }
.Lfunc_end2:
_tile_overlayer_lowered:
.L_overlay_start_2:
0x3d: {  	(tag) =	ssettag $0x2  }
0x3e: {  	s0 =	rddreg [dreg:$0x0];
	s2 =	stileid.u32  }
0x3f: {  	s1 =	rddreg [dreg:$0x1];
	p0 =	sne.s32 s2, $0x0  }
0x40: {  	s3 =	rddreg [dreg:$0x2];
	[bflag:$0x3] =	sbarrier.arrive $0xFFFF;
	s2 =	simm.s32 @!p0 $0x1C01  }
0x41: {  	[timem:s3], [sflag:s2] =	dma.local @!p0 [hbm:s0], s1  }
0x42: {  	s0 =	simm.s32 @!p0 $0x1  }
0x43: {  	_ =	swait.ge @!p0 [sflag:s0], s1  }
0x44: {  	s1 =	ssub.s32 @!p0 $0x0, s1;
	[sflag:s0] =	ssyncset.done @!p0 $0x0  }
0x45: {  	[sflag:s0] =	ssyncadd.s32 @!p0 s1  }
0x46: {  	[bflag:$0x3] =	sbarrier.arrive $0xFFFF  }
0x47: {  	_ =	shalt  }

</sc_bundles>
